<compile_context>
chip_gen: v7x
topology: tpu7x:2x2x1
jax: 0.10.2.dev20260603
libtpu: 0.0.44.dev20260713+nightly
codegen_flags: <defaults>
</compile_context>

<pallas_src>
import functools

import jax
import jax.numpy as jnp
from jax import lax
from jax.experimental import pallas as pl
from jax.experimental.pallas import tpu as pltpu
from jax.experimental.pallas import tpu_sc as plsc

_B = 16384
_D = 1024
_C = 1000
_L = 16
_NC = 2
_NS = 16
_NW = _NC * _NS
_SB = 7168
_RPW = _SB // _NW
_CH = 16
_NCHUNK = _RPW // _CH
_G = _D // _L
_TB = _B - _SB
_BB = 512

_GDN = lax.GatherDimensionNumbers(
    offset_dims=(), collapsed_slice_dims=(0,), start_index_map=(0,))


def _shuffle(x, idx):
    return lax.gather(x, idx[:, None], _GDN, slice_sizes=(1,),
                      mode=lax.GatherScatterMode.PROMISE_IN_BOUNDS)


def _lane_sum(x):
    lanes = lax.iota(jnp.int32, _L)
    for s in (8, 4, 2, 1):
        x = x + _shuffle(x, lanes ^ s)
    return x


def _rsqrt_nr(x):
    i = lax.bitcast_convert_type(x, jnp.int32)
    i = 0x5F3759DF - lax.shift_right_logical(i, 1)
    y = lax.bitcast_convert_type(i, jnp.float32)
    for _ in range(3):
        y = y * (1.5 - 0.5 * x * y * y)
    return y


def _make_sc_loss():
    mesh = plsc.VectorSubcoreMesh(core_axis_name="c", subcore_axis_name="s")

    @functools.partial(
        pl.kernel,
        mesh=mesh,
        out_type=jax.ShapeDtypeStruct((_NW, _L), jnp.float32),
        scratch_types=[
            pltpu.VMEM((_RPW + _L,), jnp.int32),
            pltpu.VMEM((_CH, _D), jnp.float32),
            pltpu.VMEM((_CH, _D), jnp.float32),
            pltpu.VMEM((_CH, _D), jnp.float32),
            pltpu.VMEM((_CH, _D), jnp.float32),
            pltpu.VMEM((_CH, _D // 2), jnp.int32),
            pltpu.VMEM((_CH, _D // 2), jnp.int32),
            pltpu.VMEM((_L,), jnp.float32),
            pltpu.SemaphoreType.DMA,
            pltpu.SemaphoreType.DMA,
        ],
    )
    def sc_loss(zi_hbm, zj_hbm, lab_hbm, anc_hbm, out_hbm,
                idx_all, zi0, zi1, zj0, zj1, anc0, anc1, acc_v,
                sem0, sem1):
        cid = lax.axis_index("c")
        sid = lax.axis_index("s")
        wid = sid * _NC + cid
        base = wid * _RPW
        bufs = ((zi0, zj0, anc0, sem0),
                (zi1, zj1, anc1, sem1))

        pltpu.sync_copy(lab_hbm.at[pl.ds(base, _RPW)],
                        idx_all.at[pl.ds(0, _RPW)])

        def start(ci, buf):
            zi_v, zj_v, anc_v, sem = buf
            b0 = base + ci * _CH
            pltpu.async_copy(anc_hbm.at[idx_all.at[pl.ds(ci * _CH, _CH)]],
                             anc_v, sem)
            pltpu.async_copy(zi_hbm.at[pl.ds(b0, _CH)], zi_v, sem)
            pltpu.async_copy(zj_hbm.at[pl.ds(b0, _CH)], zj_v, sem)

        def drain(ci, buf):
            zi_v, zj_v, anc_v, sem = buf
            b0 = base + ci * _CH
            pltpu.make_async_copy(anc_hbm.at[idx_all.at[pl.ds(ci * _CH, _CH)]],
                                  anc_v, sem).wait()
            pltpu.make_async_copy(zi_hbm.at[pl.ds(b0, _CH)], zi_v, sem).wait()
            pltpu.make_async_copy(zj_hbm.at[pl.ds(b0, _CH)], zj_v, sem).wait()

        def compute(buf, acc):
            zi_v, zj_v, anc_v, _ = buf

            def row_body(r, acc):
                def g_body(g2, c):
                    di, dj, ni, nj = c
                    w = anc_v[r, pl.ds(g2 * _L, _L)]
                    a0 = lax.bitcast_convert_type(
                        lax.shift_left(w, 16), jnp.float32)
                    a1 = lax.bitcast_convert_type(
                        w & jnp.int32(-65536), jnp.float32)
                    zi0 = zi_v[r, pl.ds(g2 * 2 * _L, _L)]
                    zi1 = zi_v[r, pl.ds(g2 * 2 * _L + _L, _L)]
                    zj0 = zj_v[r, pl.ds(g2 * 2 * _L, _L)]
                    zj1 = zj_v[r, pl.ds(g2 * 2 * _L + _L, _L)]
                    return (di + zi0 * a0 + zi1 * a1,
                            dj + zj0 * a0 + zj1 * a1,
                            ni + zi0 * zi0 + zi1 * zi1,
                            nj + zj0 * zj0 + zj1 * zj1)

                z16 = jnp.zeros((_L,), jnp.float32)
                di, dj, ni, nj = lax.fori_loop(
                    0, _G // 2, g_body, (z16, z16, z16, z16), unroll=4)
                sdi = _lane_sum(di)
                sdj = _lane_sum(dj)
                sni = jnp.maximum(_lane_sum(ni), 1e-24)
                snj = jnp.maximum(_lane_sum(nj), 1e-24)
                cos = 0.5 * (sdi * _rsqrt_nr(sni) + sdj * _rsqrt_nr(snj))
                return acc + (1.0 - cos)

            return lax.fori_loop(0, _CH, row_body, acc)

        start(0, bufs[0])

        def outer(ci2, acc):
            for b in (0, 1):
                ci = ci2 * 2 + b

                @pl.when(ci + 1 < _NCHUNK)
                def _():
                    start(ci + 1, bufs[1 - b])

                drain(ci, bufs[b])
                acc = compute(bufs[b], acc)
            return acc

        z16 = jnp.zeros((_L,), jnp.float32)
        total = lax.fori_loop(0, _NCHUNK // 2, outer, z16)
        acc_v[...] = total
        pltpu.sync_copy(acc_v, out_hbm.at[wid])

    return sc_loss


def _tc_body(lab_ref, zi_ref, zj_ref, anc_ref, out_ref, ancbf_ref):
    g = pl.program_id(0)

    @pl.when(g == 0)
    def _():
        ancbf_ref[...] = anc_ref[...].astype(jnp.bfloat16)

    zi = zi_ref[...]
    zj = zj_ref[...]
    lab = lab_ref[...]
    ns_i = jnp.sum(zi * zi, axis=1, keepdims=True)
    ns_j = jnp.sum(zj * zj, axis=1, keepdims=True)
    rs_i = 1.0 / jnp.maximum(jnp.sqrt(ns_i), 1e-12)
    rs_j = 1.0 / jnp.maximum(jnp.sqrt(ns_j), 1e-12)
    w = zi * rs_i + zj * rs_j
    onehot = (lab[:, None] == jax.lax.broadcasted_iota(jnp.int32, (_BB, _C), 1))
    onehot = onehot.astype(jnp.bfloat16)
    gathered = jnp.dot(onehot, ancbf_ref[...],
                       preferred_element_type=jnp.float32)
    blk = jnp.sum(w * gathered).reshape(1, 1)

    @pl.when(g == 0)
    def _():
        out_ref[...] = jnp.zeros_like(out_ref)

    out_ref[...] += blk


_GOFF = _SB // _BB


def _tc_cos_sum(lab1, zi, zj, anc):
    return pl.pallas_call(
        _tc_body,
        grid=(_TB // _BB,),
        in_specs=[
            pl.BlockSpec((_BB,), lambda g: (g + _GOFF,)),
            pl.BlockSpec((_BB, _D), lambda g: (g + _GOFF, 0)),
            pl.BlockSpec((_BB, _D), lambda g: (g + _GOFF, 0)),
            pl.BlockSpec((_C, _D), lambda g: (0, 0)),
        ],
        out_specs=pl.BlockSpec((1, 1), lambda g: (0, 0)),
        out_shape=jax.ShapeDtypeStruct((1, 1), jnp.float32),
        scratch_shapes=[pltpu.VMEM((_C, _D), jnp.bfloat16)],
    )(lab1, zi, zj, anc)


def kernel(z_i, z_j, z_weak, labels, anchors):
    lab = labels.astype(jnp.int32)
    au = lax.bitcast_convert_type(anchors, jnp.uint32)
    au = au.reshape(_C, _D // (2 * _L), 2, _L) + jnp.uint32(0x8000)
    wlo = au[:, :, 0, :] >> 16
    whi = au[:, :, 1, :] & jnp.uint32(0xFFFF0000)
    anc_sc = lax.bitcast_convert_type(wlo | whi, jnp.int32)
    anc_sc = anc_sc.reshape(_C, _D // 2)
    parts = _make_sc_loss()(z_i, z_j, lab, anc_sc)
    tc_cos2 = _tc_cos_sum(lab, z_i, z_j, anchors)
    sc_sum = jnp.sum(parts[:, 0])
    tc_sum = _TB - 0.5 * tc_cos2[0, 0]
    return (sc_sum + tc_sum) / _B

# --- scband reference (transcript-rebuilt; emitter-appended) ---
"""Pipeline reference for scband-cloploss-74637941670108 (READ-ONLY COPY).

The authoritative reference and input builder live on the scoring server;
editing this copy changes nothing except your own understanding.
"""

import jax, jax.numpy as jnp
import numpy as np

NUM_CLASSES = 1000
EMBED_DIM = 1024
BATCH = 16384
LAMBDA = 1.0


def _normalize(x, eps=1e-12):
    # torch.nn.functional.normalize(x, dim=1): x / max(||x||_2, eps)
    n = jnp.linalg.norm(x, axis=1, keepdims=True)
    return x / jnp.clip(n, eps, None)


def setup_inputs(seed: int = 0) -> dict:
    key = jax.random.key(seed)
    k1, k2, k3, k4, k5 = jax.random.split(key, 5)
    z_i = jax.random.normal(k1, (BATCH, EMBED_DIM), dtype=jnp.float32)
    z_j = jax.random.normal(k2, (BATCH, EMBED_DIM), dtype=jnp.float32)
    z_weak = jax.random.normal(k3, (BATCH, EMBED_DIM), dtype=jnp.float32)
    labels = jax.random.randint(k4, (BATCH,), 0, NUM_CLASSES, dtype=jnp.int64 if jax.config.jax_enable_x64 else jnp.int32)
    # SVD-initialized orthogonal anchors, mirroring __init__:
    # random_matrix: (num_classes, embedding_dim); torch.svd -> V: (embedding_dim, k), k = min = num_classes
    # anchors = V[:, :num_classes].T  == Vh (from reduced SVD), shape (num_classes, embedding_dim)
    rm = jax.random.normal(k5, (NUM_CLASSES, EMBED_DIM), dtype=jnp.float32)
    _, _, Vh = jnp.linalg.svd(rm, full_matrices=False)
    anchors = Vh  # (NUM_CLASSES, EMBED_DIM), rows orthonormal
    return {"z_i": z_i, "z_j": z_j, "z_weak": z_weak, "labels": labels, "anchors": anchors}


def reference(z_i, z_j, z_weak, labels, anchors):
    # Labeled ('supervised') path with label_por = 1.0 -> all indices selected (arange),
    # distance='cosine'. z_weak is unused on this path (kept for signature fidelity).
    z_i = _normalize(z_i)
    z_j = _normalize(z_j)
    # selected_indices == arange(batch) since num_selected == batch
    anchors_selected = jnp.take(anchors, labels, axis=0)  # gather (batch, embed_dim)
    cosine_similarity = jnp.sum(z_i * anchors_selected, axis=1) + jnp.sum(z_j * anchors_selected, axis=1)
    cosine_similarity = cosine_similarity / 2.0
    loss = jnp.mean(1.0 - cosine_similarity)
    loss = loss * LAMBDA
    return loss

if __name__ == "__main__":
    import jax
    _d = setup_inputs()
    print(jax.jit(kernel)(*tuple(_d.values())))

</pallas_src>

<mosaic_0001>
#map = affine_map<(d0, d1) -> (0, 0)>
#map1 = affine_map<(d0, d1) -> (0)>
module attributes {stable_mosaic.version = 14 : i64} {
  func.func @sc_loss(%arg0: i32, %arg1: i32, %arg2: memref<16384x1024xf32, #tpu.memory_space<hbm>>, %arg3: memref<16384x1024xf32, #tpu.memory_space<hbm>>, %arg4: memref<16384xi32, #tpu.memory_space<hbm>>, %arg5: memref<1000x512xi32, #tpu.memory_space<hbm>>, %arg6: memref<32x16xf32, #tpu.memory_space<hbm>>, %arg7: memref<240xi32, #tpu.memory_space<vmem>>, %arg8: memref<16x1024xf32, #tpu.memory_space<vmem>>, %arg9: memref<16x1024xf32, #tpu.memory_space<vmem>>, %arg10: memref<16x1024xf32, #tpu.memory_space<vmem>>, %arg11: memref<16x1024xf32, #tpu.memory_space<vmem>>, %arg12: memref<16x512xi32, #tpu.memory_space<vmem>>, %arg13: memref<16x512xi32, #tpu.memory_space<vmem>>, %arg14: memref<16xf32, #tpu.memory_space<vmem>>, %arg15: memref<!tpu.dma_semaphore, #tpu.memory_space<semaphore_mem>>, %arg16: memref<!tpu.dma_semaphore, #tpu.memory_space<semaphore_mem>>) attributes {dimension_semantics = [#tpu.dimension_semantics<core_parallel>, #tpu.dimension_semantics<subcore_parallel>], iteration_bounds = array<i64: 2, 16>, scalar_prefetch = 0 : i64, scratch_operands = 10 : i64, tpu.core_type = #tpu.core_type<sc_vector_subcore>, window_params = [{transform_indices = #map}, {transform_indices = #map}, {transform_indices = #map1}, {transform_indices = #map}, {transform_indices = #map}]} {
    %mul3A = arith.constant 2 : i32
    %mul3A_0 = arith.muli %arg1, %mul3A : i32
    %add3A = arith.addi %mul3A_0, %arg0 : i32
    %mul3A_1 = arith.constant 224 : i32
    %mul3A_2 = arith.muli %add3A, %mul3A_1 : i32
    "tpu.region"() ({
      %run_scoped3A = tpu.sem_alloc : memref<!tpu.dma_semaphore, #tpu.memory_space<semaphore_mem>>
      %dma_start3A_26 = arith.constant 0 : i32
      %dma_start3A_27 = tpu.memref_slice %arg7[%dma_start3A_26] : memref<240xi32, #tpu.memory_space<vmem>> -> memref<224xi32, #tpu.memory_space<vmem>>
      %dma_start3A_28 = tpu.memref_slice %arg4[%mul3A_2] : memref<16384xi32, #tpu.memory_space<hbm>> -> memref<224xi32, #tpu.memory_space<hbm>>
      %dma_start3A_29 = arith.constant 0 : i32
      %dma_start3A_30 = tpu.memref_slice %arg7[%dma_start3A_29] : memref<240xi32, #tpu.memory_space<vmem>> -> memref<224xi32, #tpu.memory_space<vmem>>
      %dma_start3A_31 = tpu.memref_slice %arg4[%mul3A_2] : memref<16384xi32, #tpu.memory_space<hbm>> -> memref<224xi32, #tpu.memory_space<hbm>>
      tpu.enqueue_dma source(%dma_start3A_31 : memref<224xi32, #tpu.memory_space<hbm>>) target(%dma_start3A_30 : memref<224xi32, #tpu.memory_space<vmem>>) target_semaphore(%run_scoped3A : memref<!tpu.dma_semaphore, #tpu.memory_space<semaphore_mem>>)
      %dma_wait3A = arith.constant 0 : i32
      %dma_wait3A_32 = tpu.memref_slice %arg7[%dma_wait3A] : memref<240xi32, #tpu.memory_space<vmem>> -> memref<224xi32, #tpu.memory_space<vmem>>
      %dma_wait3A_33 = tpu.memref_slice %arg4[%mul3A_2] : memref<16384xi32, #tpu.memory_space<hbm>> -> memref<224xi32, #tpu.memory_space<hbm>>
      %dma_wait3A_34 = arith.constant 0 : i32
      %dma_wait3A_35 = tpu.memref_slice %arg7[%dma_wait3A_34] : memref<240xi32, #tpu.memory_space<vmem>> -> memref<224xi32, #tpu.memory_space<vmem>>
      %dma_wait3A_36 = tpu.memref_slice %arg4[%mul3A_2] : memref<16384xi32, #tpu.memory_space<hbm>> -> memref<224xi32, #tpu.memory_space<hbm>>
      tpu.wait_dma2 semaphore(%run_scoped3A : memref<!tpu.dma_semaphore, #tpu.memory_space<semaphore_mem>>) src(%dma_wait3A_36 : memref<224xi32, #tpu.memory_space<hbm>>) dst(%dma_wait3A_35 : memref<224xi32, #tpu.memory_space<vmem>>)
      tpu.yield
    }) : () -> ()
    %add3A_3 = arith.constant 0 : i32
    %add3A_4 = arith.addi %mul3A_2, %add3A_3 : i32
    %dma_start3A = arith.constant 0 : i32
    %dma_start3A_5 = tpu.memref_slice %arg7[%dma_start3A] : memref<240xi32, #tpu.memory_space<vmem>> -> memref<16xi32, #tpu.memory_space<vmem>>
    %dma_start3A_6 = arith.constant 0 : i32
    %dma_start3A_7 = arith.constant 0 : i32
    %dma_start3A_8 = tpu.memref_slice %arg5[%dma_start3A_6, %dma_start3A_7] : memref<1000x512xi32, #tpu.memory_space<hbm>> -> memref<1000x512xi32, #tpu.memory_space<hbm>>
    tpu.enqueue_indirect_dma source(%dma_start3A_8 : memref<1000x512xi32, #tpu.memory_space<hbm>>) target(%arg12 : memref<16x512xi32, #tpu.memory_space<vmem>>) offsets(%dma_start3A_5 : memref<16xi32, #tpu.memory_space<vmem>>) semaphore(%arg15 : memref<!tpu.dma_semaphore, #tpu.memory_space<semaphore_mem>>)
    %dma_start3A_9 = arith.constant 0 : i32
    %dma_start3A_10 = tpu.memref_slice %arg2[%add3A_4, %dma_start3A_9] : memref<16384x1024xf32, #tpu.memory_space<hbm>> -> memref<16x1024xf32, #tpu.memory_space<hbm>>
    %dma_start3A_11 = arith.constant 0 : i32
    %dma_start3A_12 = tpu.memref_slice %arg2[%add3A_4, %dma_start3A_11] : memref<16384x1024xf32, #tpu.memory_space<hbm>> -> memref<16x1024xf32, #tpu.memory_space<hbm>>
    tpu.enqueue_dma source(%dma_start3A_12 : memref<16x1024xf32, #tpu.memory_space<hbm>>) target(%arg8 : memref<16x1024xf32, #tpu.memory_space<vmem>>) target_semaphore(%arg15 : memref<!tpu.dma_semaphore, #tpu.memory_space<semaphore_mem>>)
    %dma_start3A_13 = arith.constant 0 : i32
    %dma_start3A_14 = tpu.memref_slice %arg3[%add3A_4, %dma_start3A_13] : memref<16384x1024xf32, #tpu.memory_space<hbm>> -> memref<16x1024xf32, #tpu.memory_space<hbm>>
    %dma_start3A_15 = arith.constant 0 : i32
    %dma_start3A_16 = tpu.memref_slice %arg3[%add3A_4, %dma_start3A_15] : memref<16384x1024xf32, #tpu.memory_space<hbm>> -> memref<16x1024xf32, #tpu.memory_space<hbm>>
    tpu.enqueue_dma source(%dma_start3A_16 : memref<16x1024xf32, #tpu.memory_space<hbm>>) target(%arg10 : memref<16x1024xf32, #tpu.memory_space<vmem>>) target_semaphore(%arg15 : memref<!tpu.dma_semaphore, #tpu.memory_space<semaphore_mem>>)
    %broadcast_in_dim3A = arith.constant 0.000000e+00 : f32
    %broadcast_in_dim3A_17 = vector.broadcast %broadcast_in_dim3A : f32 to vector<16xf32>
    %scan3A = arith.constant 0 : i32
    %scan3A_18 = arith.constant 7 : i32
    %scan3A_19 = arith.addi %scan3A, %scan3A_18 : i32
    %scan3A_20 = arith.constant 1 : i32
    %scan3A_21 = scf.for %scan3A_26 = %scan3A to %scan3A_19 step %scan3A_20 iter_args(%scan3A_27 = %broadcast_in_dim3A_17) -> (vector<16xf32>)  : i32 {
      %mul3A_28 = arith.constant 2 : i32
      %mul3A_29 = arith.muli %scan3A_26, %mul3A_28 : i32
      %add3A_30 = arith.constant 0 : i32
      %add3A_31 = arith.addi %mul3A_29, %add3A_30 : i32
      %add3A_32 = arith.constant 1 : i32
      %add3A_33 = arith.addi %add3A_31, %add3A_32 : i32
      %lt3A = arith.constant 14 : i32
      %lt3A_34 = arith.cmpi slt, %add3A_33, %lt3A : i32
      %convert_element_type3A = arith.extui %lt3A_34 : i1 to i32
      %cond3A = arith.constant 0 : i32
      %cond3A_35 = arith.cmpi ne, %convert_element_type3A, %cond3A : i32
      scf.if %cond3A_35 {
        %add3A_92 = arith.constant 1 : i32
        %add3A_93 = arith.addi %add3A_31, %add3A_92 : i32
        %mul3A_94 = arith.constant 16 : i32
        %mul3A_95 = arith.muli %add3A_93, %mul3A_94 : i32
        %add3A_96 = arith.addi %mul3A_2, %mul3A_95 : i32
        %mul3A_97 = arith.constant 16 : i32
        %mul3A_98 = arith.muli %add3A_93, %mul3A_97 : i32
        %dma_start3A_99 = tpu.memref_slice %arg7[%mul3A_98] : memref<240xi32, #tpu.memory_space<vmem>> -> memref<16xi32, #tpu.memory_space<vmem>>
        %dma_start3A_100 = arith.constant 0 : i32
        %dma_start3A_101 = arith.constant 0 : i32
        %dma_start3A_102 = tpu.memref_slice %arg5[%dma_start3A_100, %dma_start3A_101] : memref<1000x512xi32, #tpu.memory_space<hbm>> -> memref<1000x512xi32, #tpu.memory_space<hbm>>
        tpu.enqueue_indirect_dma source(%dma_start3A_102 : memref<1000x512xi32, #tpu.memory_space<hbm>>) target(%arg13 : memref<16x512xi32, #tpu.memory_space<vmem>>) offsets(%dma_start3A_99 : memref<16xi32, #tpu.memory_space<vmem>>) semaphore(%arg16 : memref<!tpu.dma_semaphore, #tpu.memory_space<semaphore_mem>>)
        %dma_start3A_103 = arith.constant 0 : i32
        %dma_start3A_104 = tpu.memref_slice %arg2[%add3A_96, %dma_start3A_103] : memref<16384x1024xf32, #tpu.memory_space<hbm>> -> memref<16x1024xf32, #tpu.memory_space<hbm>>
        %dma_start3A_105 = arith.constant 0 : i32
        %dma_start3A_106 = tpu.memref_slice %arg2[%add3A_96, %dma_start3A_105] : memref<16384x1024xf32, #tpu.memory_space<hbm>> -> memref<16x1024xf32, #tpu.memory_space<hbm>>
        tpu.enqueue_dma source(%dma_start3A_106 : memref<16x1024xf32, #tpu.memory_space<hbm>>) target(%arg9 : memref<16x1024xf32, #tpu.memory_space<vmem>>) target_semaphore(%arg16 : memref<!tpu.dma_semaphore, #tpu.memory_space<semaphore_mem>>)
        %dma_start3A_107 = arith.constant 0 : i32
        %dma_start3A_108 = tpu.memref_slice %arg3[%add3A_96, %dma_start3A_107] : memref<16384x1024xf32, #tpu.memory_space<hbm>> -> memref<16x1024xf32, #tpu.memory_space<hbm>>
        %dma_start3A_109 = arith.constant 0 : i32
        %dma_start3A_110 = tpu.memref_slice %arg3[%add3A_96, %dma_start3A_109] : memref<16384x1024xf32, #tpu.memory_space<hbm>> -> memref<16x1024xf32, #tpu.memory_space<hbm>>
        tpu.enqueue_dma source(%dma_start3A_110 : memref<16x1024xf32, #tpu.memory_space<hbm>>) target(%arg11 : memref<16x1024xf32, #tpu.memory_space<vmem>>) target_semaphore(%arg16 : memref<!tpu.dma_semaphore, #tpu.memory_space<semaphore_mem>>)
      } else {
      }
      %mul3A_36 = arith.constant 16 : i32
      %mul3A_37 = arith.muli %add3A_31, %mul3A_36 : i32
      %add3A_38 = arith.addi %mul3A_2, %mul3A_37 : i32
      %mul3A_39 = arith.constant 16 : i32
      %mul3A_40 = arith.muli %add3A_31, %mul3A_39 : i32
      %dma_wait3A = tpu.memref_slice %arg7[%mul3A_40] : memref<240xi32, #tpu.memory_space<vmem>> -> memref<16xi32, #tpu.memory_space<vmem>>
      %dma_wait3A_41 = arith.constant 0 : i32
      %dma_wait3A_42 = arith.constant 0 : i32
      %dma_wait3A_43 = tpu.memref_slice %arg5[%dma_wait3A_41, %dma_wait3A_42] : memref<1000x512xi32, #tpu.memory_space<hbm>> -> memref<1000x512xi32, #tpu.memory_space<hbm>>
      tpu.wait_indirect_dma semaphore(%arg15 : memref<!tpu.dma_semaphore, #tpu.memory_space<semaphore_mem>>) src(%dma_wait3A_43 : memref<1000x512xi32, #tpu.memory_space<hbm>>) dst(%arg12 : memref<16x512xi32, #tpu.memory_space<vmem>>)
      %dma_wait3A_44 = arith.constant 0 : i32
      %dma_wait3A_45 = tpu.memref_slice %arg2[%add3A_38, %dma_wait3A_44] : memref<16384x1024xf32, #tpu.memory_space<hbm>> -> memref<16x1024xf32, #tpu.memory_space<hbm>>
      %dma_wait3A_46 = arith.constant 0 : i32
      %dma_wait3A_47 = tpu.memref_slice %arg2[%add3A_38, %dma_wait3A_46] : memref<16384x1024xf32, #tpu.memory_space<hbm>> -> memref<16x1024xf32, #tpu.memory_space<hbm>>
      tpu.wait_dma2 semaphore(%arg15 : memref<!tpu.dma_semaphore, #tpu.memory_space<semaphore_mem>>) src(%dma_wait3A_47 : memref<16x1024xf32, #tpu.memory_space<hbm>>) dst(%arg8 : memref<16x1024xf32, #tpu.memory_space<vmem>>)
      %dma_wait3A_48 = arith.constant 0 : i32
      %dma_wait3A_49 = tpu.memref_slice %arg3[%add3A_38, %dma_wait3A_48] : memref<16384x1024xf32, #tpu.memory_space<hbm>> -> memref<16x1024xf32, #tpu.memory_space<hbm>>
      %dma_wait3A_50 = arith.constant 0 : i32
      %dma_wait3A_51 = tpu.memref_slice %arg3[%add3A_38, %dma_wait3A_50] : memref<16384x1024xf32, #tpu.memory_space<hbm>> -> memref<16x1024xf32, #tpu.memory_space<hbm>>
      tpu.wait_dma2 semaphore(%arg15 : memref<!tpu.dma_semaphore, #tpu.memory_space<semaphore_mem>>) src(%dma_wait3A_51 : memref<16x1024xf32, #tpu.memory_space<hbm>>) dst(%arg10 : memref<16x1024xf32, #tpu.memory_space<vmem>>)
      %scan3A_52 = arith.constant 0 : i32
      %scan3A_53 = arith.constant 16 : i32
      %scan3A_54 = arith.addi %scan3A_52, %scan3A_53 : i32
      %scan3A_55 = arith.constant 1 : i32
      %scan3A_56 = scf.for %scan3A_92 = %scan3A_52 to %scan3A_54 step %scan3A_55 iter_args(%scan3A_93 = %scan3A_27) -> (vector<16xf32>)  : i32 {
        %broadcast_in_dim3A_94 = arith.constant 0.000000e+00 : f32
        %broadcast_in_dim3A_95 = vector.broadcast %broadcast_in_dim3A_94 : f32 to vector<16xf32>
        %scan3A_96 = arith.constant 0 : i32
        %scan3A_97 = arith.constant 32 : i32
        %scan3A_98 = arith.addi %scan3A_96, %scan3A_97 : i32
        %scan3A_99 = arith.constant 4 : i32
        %scan3A_100:4 = scf.for %scan3A_297 = %scan3A_96 to %scan3A_98 step %scan3A_99 iter_args(%scan3A_298 = %broadcast_in_dim3A_95, %scan3A_299 = %broadcast_in_dim3A_95, %scan3A_300 = %broadcast_in_dim3A_95, %scan3A_301 = %broadcast_in_dim3A_95) -> (vector<16xf32>, vector<16xf32>, vector<16xf32>, vector<16xf32>)  : i32 {
          %mul3A_302 = arith.constant 16 : i32
          %mul3A_303 = arith.muli %scan3A_297, %mul3A_302 : i32
          %get3A = arith.index_cast %scan3A_92 : i32 to index
          %get3A_304 = arith.index_cast %mul3A_303 : i32 to index
          %get3A_305 = tpu.vector_load %arg12[%get3A, %get3A_304] {strides = array<i32>} : memref<16x512xi32, #tpu.memory_space<vmem>>, vector<1x16xi32>,
          %get3A_306 = vector.shape_cast %get3A_305 : vector<1x16xi32> to vector<16xi32>
          %shift_left3A = arith.constant 16 : i32
          %shift_left3A_307 = vector.broadcast %shift_left3A : i32 to vector<16xi32>
          %shift_left3A_308 = arith.shli %get3A_306, %shift_left3A_307 : vector<16xi32>
          %bitcast_convert_type3A_309 = tpu.bitcast %shift_left3A_308 : vector<16xi32> -> vector<16xf32>
          %and3A = arith.constant -65536 : i32
          %and3A_310 = vector.broadcast %and3A : i32 to vector<16xi32>
          %and3A_311 = arith.andi %get3A_306, %and3A_310 : vector<16xi32>
          %bitcast_convert_type3A_312 = tpu.bitcast %and3A_311 : vector<16xi32> -> vector<16xf32>
          %mul3A_313 = arith.constant 2 : i32
          %mul3A_314 = arith.muli %scan3A_297, %mul3A_313 : i32
          %mul3A_315 = arith.constant 16 : i32
          %mul3A_316 = arith.muli %mul3A_314, %mul3A_315 : i32
          %get3A_317 = arith.index_cast %scan3A_92 : i32 to index
          %get3A_318 = arith.index_cast %mul3A_316 : i32 to index
          %get3A_319 = tpu.vector_load %arg8[%get3A_317, %get3A_318] {strides = array<i32>} : memref<16x1024xf32, #tpu.memory_space<vmem>>, vector<1x16xf32>,
          %get3A_320 = vector.shape_cast %get3A_319 : vector<1x16xf32> to vector<16xf32>
          %mul3A_321 = arith.constant 2 : i32
          %mul3A_322 = arith.muli %scan3A_297, %mul3A_321 : i32
          %mul3A_323 = arith.constant 16 : i32
          %mul3A_324 = arith.muli %mul3A_322, %mul3A_323 : i32
          %add3A_325 = arith.constant 16 : i32
          %add3A_326 = arith.addi %mul3A_324, %add3A_325 : i32
          %get3A_327 = arith.index_cast %scan3A_92 : i32 to index
          %get3A_328 = arith.index_cast %add3A_326 : i32 to index
          %get3A_329 = tpu.vector_load %arg8[%get3A_327, %get3A_328] {strides = array<i32>} : memref<16x1024xf32, #tpu.memory_space<vmem>>, vector<1x16xf32>,
          %get3A_330 = vector.shape_cast %get3A_329 : vector<1x16xf32> to vector<16xf32>
          %mul3A_331 = arith.constant 2 : i32
          %mul3A_332 = arith.muli %scan3A_297, %mul3A_331 : i32
          %mul3A_333 = arith.constant 16 : i32
          %mul3A_334 = arith.muli %mul3A_332, %mul3A_333 : i32
          %get3A_335 = arith.index_cast %scan3A_92 : i32 to index
          %get3A_336 = arith.index_cast %mul3A_334 : i32 to index
          %get3A_337 = tpu.vector_load %arg10[%get3A_335, %get3A_336] {strides = array<i32>} : memref<16x1024xf32, #tpu.memory_space<vmem>>, vector<1x16xf32>,
          %get3A_338 = vector.shape_cast %get3A_337 : vector<1x16xf32> to vector<16xf32>
          %mul3A_339 = arith.constant 2 : i32
          %mul3A_340 = arith.muli %scan3A_297, %mul3A_339 : i32
          %mul3A_341 = arith.constant 16 : i32
          %mul3A_342 = arith.muli %mul3A_340, %mul3A_341 : i32
          %add3A_343 = arith.constant 16 : i32
          %add3A_344 = arith.addi %mul3A_342, %add3A_343 : i32
          %get3A_345 = arith.index_cast %scan3A_92 : i32 to index
          %get3A_346 = arith.index_cast %add3A_344 : i32 to index
          %get3A_347 = tpu.vector_load %arg10[%get3A_345, %get3A_346] {strides = array<i32>} : memref<16x1024xf32, #tpu.memory_space<vmem>>, vector<1x16xf32>,
          %get3A_348 = vector.shape_cast %get3A_347 : vector<1x16xf32> to vector<16xf32>
          %mul3A_349 = arith.mulf %get3A_320, %bitcast_convert_type3A_309 : vector<16xf32>
          %add3A_350 = arith.addf %scan3A_298, %mul3A_349 : vector<16xf32>
          %mul3A_351 = arith.mulf %get3A_330, %bitcast_convert_type3A_312 : vector<16xf32>
          %add3A_352 = arith.addf %add3A_350, %mul3A_351 : vector<16xf32>
          %mul3A_353 = arith.mulf %get3A_338, %bitcast_convert_type3A_309 : vector<16xf32>
          %add3A_354 = arith.addf %scan3A_299, %mul3A_353 : vector<16xf32>
          %mul3A_355 = arith.mulf %get3A_348, %bitcast_convert_type3A_312 : vector<16xf32>
          %add3A_356 = arith.addf %add3A_354, %mul3A_355 : vector<16xf32>
          %mul3A_357 = arith.mulf %get3A_320, %get3A_320 : vector<16xf32>
          %add3A_358 = arith.addf %scan3A_300, %mul3A_357 : vector<16xf32>
          %mul3A_359 = arith.mulf %get3A_330, %get3A_330 : vector<16xf32>
          %add3A_360 = arith.addf %add3A_358, %mul3A_359 : vector<16xf32>
          %mul3A_361 = arith.mulf %get3A_338, %get3A_338 : vector<16xf32>
          %add3A_362 = arith.addf %scan3A_301, %mul3A_361 : vector<16xf32>
          %mul3A_363 = arith.mulf %get3A_348, %get3A_348 : vector<16xf32>
          %add3A_364 = arith.addf %add3A_362, %mul3A_363 : vector<16xf32>
          %scan3A_365 = arith.constant 1 : i32
          %scan3A_366 = arith.addi %scan3A_297, %scan3A_365 : i32
          %mul3A_367 = arith.constant 16 : i32
          %mul3A_368 = arith.muli %scan3A_366, %mul3A_367 : i32
          %get3A_369 = arith.index_cast %scan3A_92 : i32 to index
          %get3A_370 = arith.index_cast %mul3A_368 : i32 to index
          %get3A_371 = tpu.vector_load %arg12[%get3A_369, %get3A_370] {strides = array<i32>} : memref<16x512xi32, #tpu.memory_space<vmem>>, vector<1x16xi32>,
          %get3A_372 = vector.shape_cast %get3A_371 : vector<1x16xi32> to vector<16xi32>
          %shift_left3A_373 = arith.constant 16 : i32
          %shift_left3A_374 = vector.broadcast %shift_left3A_373 : i32 to vector<16xi32>
          %shift_left3A_375 = arith.shli %get3A_372, %shift_left3A_374 : vector<16xi32>
          %bitcast_convert_type3A_376 = tpu.bitcast %shift_left3A_375 : vector<16xi32> -> vector<16xf32>
          %and3A_377 = arith.constant -65536 : i32
          %and3A_378 = vector.broadcast %and3A_377 : i32 to vector<16xi32>
          %and3A_379 = arith.andi %get3A_372, %and3A_378 : vector<16xi32>
          %bitcast_convert_type3A_380 = tpu.bitcast %and3A_379 : vector<16xi32> -> vector<16xf32>
          %mul3A_381 = arith.constant 2 : i32
          %mul3A_382 = arith.muli %scan3A_366, %mul3A_381 : i32
          %mul3A_383 = arith.constant 16 : i32
          %mul3A_384 = arith.muli %mul3A_382, %mul3A_383 : i32
          %get3A_385 = arith.index_cast %scan3A_92 : i32 to index
          %get3A_386 = arith.index_cast %mul3A_384 : i32 to index
          %get3A_387 = tpu.vector_load %arg8[%get3A_385, %get3A_386] {strides = array<i32>} : memref<16x1024xf32, #tpu.memory_space<vmem>>, vector<1x16xf32>,
          %get3A_388 = vector.shape_cast %get3A_387 : vector<1x16xf32> to vector<16xf32>
          %mul3A_389 = arith.constant 2 : i32
          %mul3A_390 = arith.muli %scan3A_366, %mul3A_389 : i32
          %mul3A_391 = arith.constant 16 : i32
          %mul3A_392 = arith.muli %mul3A_390, %mul3A_391 : i32
          %add3A_393 = arith.constant 16 : i32
          %add3A_394 = arith.addi %mul3A_392, %add3A_393 : i32
          %get3A_395 = arith.index_cast %scan3A_92 : i32 to index
          %get3A_396 = arith.index_cast %add3A_394 : i32 to index
          %get3A_397 = tpu.vector_load %arg8[%get3A_395, %get3A_396] {strides = array<i32>} : memref<16x1024xf32, #tpu.memory_space<vmem>>, vector<1x16xf32>,
          %get3A_398 = vector.shape_cast %get3A_397 : vector<1x16xf32> to vector<16xf32>
          %mul3A_399 = arith.constant 2 : i32
          %mul3A_400 = arith.muli %scan3A_366, %mul3A_399 : i32
          %mul3A_401 = arith.constant 16 : i32
          %mul3A_402 = arith.muli %mul3A_400, %mul3A_401 : i32
          %get3A_403 = arith.index_cast %scan3A_92 : i32 to index
          %get3A_404 = arith.index_cast %mul3A_402 : i32 to index
          %get3A_405 = tpu.vector_load %arg10[%get3A_403, %get3A_404] {strides = array<i32>} : memref<16x1024xf32, #tpu.memory_space<vmem>>, vector<1x16xf32>,
          %get3A_406 = vector.shape_cast %get3A_405 : vector<1x16xf32> to vector<16xf32>
          %mul3A_407 = arith.constant 2 : i32
          %mul3A_408 = arith.muli %scan3A_366, %mul3A_407 : i32
          %mul3A_409 = arith.constant 16 : i32
          %mul3A_410 = arith.muli %mul3A_408, %mul3A_409 : i32
          %add3A_411 = arith.constant 16 : i32
          %add3A_412 = arith.addi %mul3A_410, %add3A_411 : i32
          %get3A_413 = arith.index_cast %scan3A_92 : i32 to index
          %get3A_414 = arith.index_cast %add3A_412 : i32 to index
          %get3A_415 = tpu.vector_load %arg10[%get3A_413, %get3A_414] {strides = array<i32>} : memref<16x1024xf32, #tpu.memory_space<vmem>>, vector<1x16xf32>,
          %get3A_416 = vector.shape_cast %get3A_415 : vector<1x16xf32> to vector<16xf32>
          %mul3A_417 = arith.mulf %get3A_388, %bitcast_convert_type3A_376 : vector<16xf32>
          %add3A_418 = arith.addf %add3A_352, %mul3A_417 : vector<16xf32>
          %mul3A_419 = arith.mulf %get3A_398, %bitcast_convert_type3A_380 : vector<16xf32>
          %add3A_420 = arith.addf %add3A_418, %mul3A_419 : vector<16xf32>
          %mul3A_421 = arith.mulf %get3A_406, %bitcast_convert_type3A_376 : vector<16xf32>
          %add3A_422 = arith.addf %add3A_356, %mul3A_421 : vector<16xf32>
          %mul3A_423 = arith.mulf %get3A_416, %bitcast_convert_type3A_380 : vector<16xf32>
          %add3A_424 = arith.addf %add3A_422, %mul3A_423 : vector<16xf32>
          %mul3A_425 = arith.mulf %get3A_388, %get3A_388 : vector<16xf32>
          %add3A_426 = arith.addf %add3A_360, %mul3A_425 : vector<16xf32>
          %mul3A_427 = arith.mulf %get3A_398, %get3A_398 : vector<16xf32>
          %add3A_428 = arith.addf %add3A_426, %mul3A_427 : vector<16xf32>
          %mul3A_429 = arith.mulf %get3A_406, %get3A_406 : vector<16xf32>
          %add3A_430 = arith.addf %add3A_364, %mul3A_429 : vector<16xf32>
          %mul3A_431 = arith.mulf %get3A_416, %get3A_416 : vector<16xf32>
          %add3A_432 = arith.addf %add3A_430, %mul3A_431 : vector<16xf32>
          %scan3A_433 = arith.constant 2 : i32
          %scan3A_434 = arith.addi %scan3A_297, %scan3A_433 : i32
          %mul3A_435 = arith.constant 16 : i32
          %mul3A_436 = arith.muli %scan3A_434, %mul3A_435 : i32
          %get3A_437 = arith.index_cast %scan3A_92 : i32 to index
          %get3A_438 = arith.index_cast %mul3A_436 : i32 to index
          %get3A_439 = tpu.vector_load %arg12[%get3A_437, %get3A_438] {strides = array<i32>} : memref<16x512xi32, #tpu.memory_space<vmem>>, vector<1x16xi32>,
          %get3A_440 = vector.shape_cast %get3A_439 : vector<1x16xi32> to vector<16xi32>
          %shift_left3A_441 = arith.constant 16 : i32
          %shift_left3A_442 = vector.broadcast %shift_left3A_441 : i32 to vector<16xi32>
          %shift_left3A_443 = arith.shli %get3A_440, %shift_left3A_442 : vector<16xi32>
          %bitcast_convert_type3A_444 = tpu.bitcast %shift_left3A_443 : vector<16xi32> -> vector<16xf32>
          %and3A_445 = arith.constant -65536 : i32
          %and3A_446 = vector.broadcast %and3A_445 : i32 to vector<16xi32>
          %and3A_447 = arith.andi %get3A_440, %and3A_446 : vector<16xi32>
          %bitcast_convert_type3A_448 = tpu.bitcast %and3A_447 : vector<16xi32> -> vector<16xf32>
          %mul3A_449 = arith.constant 2 : i32
          %mul3A_450 = arith.muli %scan3A_434, %mul3A_449 : i32
          %mul3A_451 = arith.constant 16 : i32
          %mul3A_452 = arith.muli %mul3A_450, %mul3A_451 : i32
          %get3A_453 = arith.index_cast %scan3A_92 : i32 to index
          %get3A_454 = arith.index_cast %mul3A_452 : i32 to index
          %get3A_455 = tpu.vector_load %arg8[%get3A_453, %get3A_454] {strides = array<i32>} : memref<16x1024xf32, #tpu.memory_space<vmem>>, vector<1x16xf32>,
          %get3A_456 = vector.shape_cast %get3A_455 : vector<1x16xf32> to vector<16xf32>
          %mul3A_457 = arith.constant 2 : i32
          %mul3A_458 = arith.muli %scan3A_434, %mul3A_457 : i32
          %mul3A_459 = arith.constant 16 : i32
          %mul3A_460 = arith.muli %mul3A_458, %mul3A_459 : i32
          %add3A_461 = arith.constant 16 : i32
          %add3A_462 = arith.addi %mul3A_460, %add3A_461 : i32
          %get3A_463 = arith.index_cast %scan3A_92 : i32 to index
          %get3A_464 = arith.index_cast %add3A_462 : i32 to index
          %get3A_465 = tpu.vector_load %arg8[%get3A_463, %get3A_464] {strides = array<i32>} : memref<16x1024xf32, #tpu.memory_space<vmem>>, vector<1x16xf32>,
          %get3A_466 = vector.shape_cast %get3A_465 : vector<1x16xf32> to vector<16xf32>
          %mul3A_467 = arith.constant 2 : i32
          %mul3A_468 = arith.muli %scan3A_434, %mul3A_467 : i32
          %mul3A_469 = arith.constant 16 : i32
          %mul3A_470 = arith.muli %mul3A_468, %mul3A_469 : i32
          %get3A_471 = arith.index_cast %scan3A_92 : i32 to index
          %get3A_472 = arith.index_cast %mul3A_470 : i32 to index
          %get3A_473 = tpu.vector_load %arg10[%get3A_471, %get3A_472] {strides = array<i32>} : memref<16x1024xf32, #tpu.memory_space<vmem>>, vector<1x16xf32>,
          %get3A_474 = vector.shape_cast %get3A_473 : vector<1x16xf32> to vector<16xf32>
          %mul3A_475 = arith.constant 2 : i32
          %mul3A_476 = arith.muli %scan3A_434, %mul3A_475 : i32
          %mul3A_477 = arith.constant 16 : i32
          %mul3A_478 = arith.muli %mul3A_476, %mul3A_477 : i32
          %add3A_479 = arith.constant 16 : i32
          %add3A_480 = arith.addi %mul3A_478, %add3A_479 : i32
          %get3A_481 = arith.index_cast %scan3A_92 : i32 to index
          %get3A_482 = arith.index_cast %add3A_480 : i32 to index
          %get3A_483 = tpu.vector_load %arg10[%get3A_481, %get3A_482] {strides = array<i32>} : memref<16x1024xf32, #tpu.memory_space<vmem>>, vector<1x16xf32>,
          %get3A_484 = vector.shape_cast %get3A_483 : vector<1x16xf32> to vector<16xf32>
          %mul3A_485 = arith.mulf %get3A_456, %bitcast_convert_type3A_444 : vector<16xf32>
          %add3A_486 = arith.addf %add3A_420, %mul3A_485 : vector<16xf32>
          %mul3A_487 = arith.mulf %get3A_466, %bitcast_convert_type3A_448 : vector<16xf32>
          %add3A_488 = arith.addf %add3A_486, %mul3A_487 : vector<16xf32>
          %mul3A_489 = arith.mulf %get3A_474, %bitcast_convert_type3A_444 : vector<16xf32>
          %add3A_490 = arith.addf %add3A_424, %mul3A_489 : vector<16xf32>
          %mul3A_491 = arith.mulf %get3A_484, %bitcast_convert_type3A_448 : vector<16xf32>
          %add3A_492 = arith.addf %add3A_490, %mul3A_491 : vector<16xf32>
          %mul3A_493 = arith.mulf %get3A_456, %get3A_456 : vector<16xf32>
          %add3A_494 = arith.addf %add3A_428, %mul3A_493 : vector<16xf32>
          %mul3A_495 = arith.mulf %get3A_466, %get3A_466 : vector<16xf32>
          %add3A_496 = arith.addf %add3A_494, %mul3A_495 : vector<16xf32>
          %mul3A_497 = arith.mulf %get3A_474, %get3A_474 : vector<16xf32>
          %add3A_498 = arith.addf %add3A_432, %mul3A_497 : vector<16xf32>
          %mul3A_499 = arith.mulf %get3A_484, %get3A_484 : vector<16xf32>
          %add3A_500 = arith.addf %add3A_498, %mul3A_499 : vector<16xf32>
          %scan3A_501 = arith.constant 3 : i32
          %scan3A_502 = arith.addi %scan3A_297, %scan3A_501 : i32
          %mul3A_503 = arith.constant 16 : i32
          %mul3A_504 = arith.muli %scan3A_502, %mul3A_503 : i32
          %get3A_505 = arith.index_cast %scan3A_92 : i32 to index
          %get3A_506 = arith.index_cast %mul3A_504 : i32 to index
          %get3A_507 = tpu.vector_load %arg12[%get3A_505, %get3A_506] {strides = array<i32>} : memref<16x512xi32, #tpu.memory_space<vmem>>, vector<1x16xi32>,
          %get3A_508 = vector.shape_cast %get3A_507 : vector<1x16xi32> to vector<16xi32>
          %shift_left3A_509 = arith.constant 16 : i32
          %shift_left3A_510 = vector.broadcast %shift_left3A_509 : i32 to vector<16xi32>
          %shift_left3A_511 = arith.shli %get3A_508, %shift_left3A_510 : vector<16xi32>
          %bitcast_convert_type3A_512 = tpu.bitcast %shift_left3A_511 : vector<16xi32> -> vector<16xf32>
          %and3A_513 = arith.constant -65536 : i32
          %and3A_514 = vector.broadcast %and3A_513 : i32 to vector<16xi32>
          %and3A_515 = arith.andi %get3A_508, %and3A_514 : vector<16xi32>
          %bitcast_convert_type3A_516 = tpu.bitcast %and3A_515 : vector<16xi32> -> vector<16xf32>
          %mul3A_517 = arith.constant 2 : i32
          %mul3A_518 = arith.muli %scan3A_502, %mul3A_517 : i32
          %mul3A_519 = arith.constant 16 : i32
          %mul3A_520 = arith.muli %mul3A_518, %mul3A_519 : i32
          %get3A_521 = arith.index_cast %scan3A_92 : i32 to index
          %get3A_522 = arith.index_cast %mul3A_520 : i32 to index
          %get3A_523 = tpu.vector_load %arg8[%get3A_521, %get3A_522] {strides = array<i32>} : memref<16x1024xf32, #tpu.memory_space<vmem>>, vector<1x16xf32>,
          %get3A_524 = vector.shape_cast %get3A_523 : vector<1x16xf32> to vector<16xf32>
          %mul3A_525 = arith.constant 2 : i32
          %mul3A_526 = arith.muli %scan3A_502, %mul3A_525 : i32
          %mul3A_527 = arith.constant 16 : i32
          %mul3A_528 = arith.muli %mul3A_526, %mul3A_527 : i32
          %add3A_529 = arith.constant 16 : i32
          %add3A_530 = arith.addi %mul3A_528, %add3A_529 : i32
          %get3A_531 = arith.index_cast %scan3A_92 : i32 to index
          %get3A_532 = arith.index_cast %add3A_530 : i32 to index
          %get3A_533 = tpu.vector_load %arg8[%get3A_531, %get3A_532] {strides = array<i32>} : memref<16x1024xf32, #tpu.memory_space<vmem>>, vector<1x16xf32>,
          %get3A_534 = vector.shape_cast %get3A_533 : vector<1x16xf32> to vector<16xf32>
          %mul3A_535 = arith.constant 2 : i32
          %mul3A_536 = arith.muli %scan3A_502, %mul3A_535 : i32
          %mul3A_537 = arith.constant 16 : i32
          %mul3A_538 = arith.muli %mul3A_536, %mul3A_537 : i32
          %get3A_539 = arith.index_cast %scan3A_92 : i32 to index
          %get3A_540 = arith.index_cast %mul3A_538 : i32 to index
          %get3A_541 = tpu.vector_load %arg10[%get3A_539, %get3A_540] {strides = array<i32>} : memref<16x1024xf32, #tpu.memory_space<vmem>>, vector<1x16xf32>,
          %get3A_542 = vector.shape_cast %get3A_541 : vector<1x16xf32> to vector<16xf32>
          %mul3A_543 = arith.constant 2 : i32
          %mul3A_544 = arith.muli %scan3A_502, %mul3A_543 : i32
          %mul3A_545 = arith.constant 16 : i32
          %mul3A_546 = arith.muli %mul3A_544, %mul3A_545 : i32
          %add3A_547 = arith.constant 16 : i32
          %add3A_548 = arith.addi %mul3A_546, %add3A_547 : i32
          %get3A_549 = arith.index_cast %scan3A_92 : i32 to index
          %get3A_550 = arith.index_cast %add3A_548 : i32 to index
          %get3A_551 = tpu.vector_load %arg10[%get3A_549, %get3A_550] {strides = array<i32>} : memref<16x1024xf32, #tpu.memory_space<vmem>>, vector<1x16xf32>,
          %get3A_552 = vector.shape_cast %get3A_551 : vector<1x16xf32> to vector<16xf32>
          %mul3A_553 = arith.mulf %get3A_524, %bitcast_convert_type3A_512 : vector<16xf32>
          %add3A_554 = arith.addf %add3A_488, %mul3A_553 : vector<16xf32>
          %mul3A_555 = arith.mulf %get3A_534, %bitcast_convert_type3A_516 : vector<16xf32>
          %add3A_556 = arith.addf %add3A_554, %mul3A_555 : vector<16xf32>
          %mul3A_557 = arith.mulf %get3A_542, %bitcast_convert_type3A_512 : vector<16xf32>
          %add3A_558 = arith.addf %add3A_492, %mul3A_557 : vector<16xf32>
          %mul3A_559 = arith.mulf %get3A_552, %bitcast_convert_type3A_516 : vector<16xf32>
          %add3A_560 = arith.addf %add3A_558, %mul3A_559 : vector<16xf32>
          %mul3A_561 = arith.mulf %get3A_524, %get3A_524 : vector<16xf32>
          %add3A_562 = arith.addf %add3A_496, %mul3A_561 : vector<16xf32>
          %mul3A_563 = arith.mulf %get3A_534, %get3A_534 : vector<16xf32>
          %add3A_564 = arith.addf %add3A_562, %mul3A_563 : vector<16xf32>
          %mul3A_565 = arith.mulf %get3A_542, %get3A_542 : vector<16xf32>
          %add3A_566 = arith.addf %add3A_500, %mul3A_565 : vector<16xf32>
          %mul3A_567 = arith.mulf %get3A_552, %get3A_552 : vector<16xf32>
          %add3A_568 = arith.addf %add3A_566, %mul3A_567 : vector<16xf32>
          scf.yield %add3A_556, %add3A_560, %add3A_564, %add3A_568 : vector<16xf32>, vector<16xf32>, vector<16xf32>, vector<16xf32>
        }
        %scan3A_101 = arith.constant 32 : i32
        %iota3A = tpu.iota {dimensions = array<i32: 0>} : vector<16xi32>
        %xor3A = arith.constant 8 : i32
        %xor3A_102 = vector.broadcast %xor3A : i32 to vector<16xi32>
        %xor3A_103 = arith.xori %iota3A, %xor3A_102 : vector<16xi32>
        %broadcast_in_dim3A_104 = vector.shape_cast %xor3A_103 : vector<16xi32> to vector<16x1xi32>
        %gather3A = vector.shape_cast %broadcast_in_dim3A_104 : vector<16x1xi32> to vector<16xi32>
        %gather3A_105 = tpu.dynamic_gather %scan3A_100#0[%gather3A] in [0] : vector<16xf32>, vector<16xi32> -> vector<16xf32>
        %add3A_106 = arith.addf %scan3A_100#0, %gather3A_105 : vector<16xf32>
        %xor3A_107 = arith.constant 4 : i32
        %xor3A_108 = vector.broadcast %xor3A_107 : i32 to vector<16xi32>
        %xor3A_109 = arith.xori %iota3A, %xor3A_108 : vector<16xi32>
        %broadcast_in_dim3A_110 = vector.shape_cast %xor3A_109 : vector<16xi32> to vector<16x1xi32>
        %gather3A_111 = vector.shape_cast %broadcast_in_dim3A_110 : vector<16x1xi32> to vector<16xi32>
        %gather3A_112 = tpu.dynamic_gather %add3A_106[%gather3A_111] in [0] : vector<16xf32>, vector<16xi32> -> vector<16xf32>
        %add3A_113 = arith.addf %add3A_106, %gather3A_112 : vector<16xf32>
        %xor3A_114 = arith.constant 2 : i32
        %xor3A_115 = vector.broadcast %xor3A_114 : i32 to vector<16xi32>
        %xor3A_116 = arith.xori %iota3A, %xor3A_115 : vector<16xi32>
        %broadcast_in_dim3A_117 = vector.shape_cast %xor3A_116 : vector<16xi32> to vector<16x1xi32>
        %gather3A_118 = vector.shape_cast %broadcast_in_dim3A_117 : vector<16x1xi32> to vector<16xi32>
        %gather3A_119 = tpu.dynamic_gather %add3A_113[%gather3A_118] in [0] : vector<16xf32>, vector<16xi32> -> vector<16xf32>
        %add3A_120 = arith.addf %add3A_113, %gather3A_119 : vector<16xf32>
        %xor3A_121 = arith.constant 1 : i32
        %xor3A_122 = vector.broadcast %xor3A_121 : i32 to vector<16xi32>
        %xor3A_123 = arith.xori %iota3A, %xor3A_122 : vector<16xi32>
        %broadcast_in_dim3A_124 = vector.shape_cast %xor3A_123 : vector<16xi32> to vector<16x1xi32>
        %gather3A_125 = vector.shape_cast %broadcast_in_dim3A_124 : vector<16x1xi32> to vector<16xi32>
        %gather3A_126 = tpu.dynamic_gather %add3A_120[%gather3A_125] in [0] : vector<16xf32>, vector<16xi32> -> vector<16xf32>
        %add3A_127 = arith.addf %add3A_120, %gather3A_126 : vector<16xf32>
        %iota3A_128 = tpu.iota {dimensions = array<i32: 0>} : vector<16xi32>
        %xor3A_129 = arith.constant 8 : i32
        %xor3A_130 = vector.broadcast %xor3A_129 : i32 to vector<16xi32>
        %xor3A_131 = arith.xori %iota3A_128, %xor3A_130 : vector<16xi32>
        %broadcast_in_dim3A_132 = vector.shape_cast %xor3A_131 : vector<16xi32> to vector<16x1xi32>
        %gather3A_133 = vector.shape_cast %broadcast_in_dim3A_132 : vector<16x1xi32> to vector<16xi32>
        %gather3A_134 = tpu.dynamic_gather %scan3A_100#1[%gather3A_133] in [0] : vector<16xf32>, vector<16xi32> -> vector<16xf32>
        %add3A_135 = arith.addf %scan3A_100#1, %gather3A_134 : vector<16xf32>
        %xor3A_136 = arith.constant 4 : i32
        %xor3A_137 = vector.broadcast %xor3A_136 : i32 to vector<16xi32>
        %xor3A_138 = arith.xori %iota3A_128, %xor3A_137 : vector<16xi32>
        %broadcast_in_dim3A_139 = vector.shape_cast %xor3A_138 : vector<16xi32> to vector<16x1xi32>
        %gather3A_140 = vector.shape_cast %broadcast_in_dim3A_139 : vector<16x1xi32> to vector<16xi32>
        %gather3A_141 = tpu.dynamic_gather %add3A_135[%gather3A_140] in [0] : vector<16xf32>, vector<16xi32> -> vector<16xf32>
        %add3A_142 = arith.addf %add3A_135, %gather3A_141 : vector<16xf32>
        %xor3A_143 = arith.constant 2 : i32
        %xor3A_144 = vector.broadcast %xor3A_143 : i32 to vector<16xi32>
        %xor3A_145 = arith.xori %iota3A_128, %xor3A_144 : vector<16xi32>
        %broadcast_in_dim3A_146 = vector.shape_cast %xor3A_145 : vector<16xi32> to vector<16x1xi32>
        %gather3A_147 = vector.shape_cast %broadcast_in_dim3A_146 : vector<16x1xi32> to vector<16xi32>
        %gather3A_148 = tpu.dynamic_gather %add3A_142[%gather3A_147] in [0] : vector<16xf32>, vector<16xi32> -> vector<16xf32>
        %add3A_149 = arith.addf %add3A_142, %gather3A_148 : vector<16xf32>
        %xor3A_150 = arith.constant 1 : i32
        %xor3A_151 = vector.broadcast %xor3A_150 : i32 to vector<16xi32>
        %xor3A_152 = arith.xori %iota3A_128, %xor3A_151 : vector<16xi32>
        %broadcast_in_dim3A_153 = vector.shape_cast %xor3A_152 : vector<16xi32> to vector<16x1xi32>
        %gather3A_154 = vector.shape_cast %broadcast_in_dim3A_153 : vector<16x1xi32> to vector<16xi32>
        %gather3A_155 = tpu.dynamic_gather %add3A_149[%gather3A_154] in [0] : vector<16xf32>, vector<16xi32> -> vector<16xf32>
        %add3A_156 = arith.addf %add3A_149, %gather3A_155 : vector<16xf32>
        %iota3A_157 = tpu.iota {dimensions = array<i32: 0>} : vector<16xi32>
        %xor3A_158 = arith.constant 8 : i32
        %xor3A_159 = vector.broadcast %xor3A_158 : i32 to vector<16xi32>
        %xor3A_160 = arith.xori %iota3A_157, %xor3A_159 : vector<16xi32>
        %broadcast_in_dim3A_161 = vector.shape_cast %xor3A_160 : vector<16xi32> to vector<16x1xi32>
        %gather3A_162 = vector.shape_cast %broadcast_in_dim3A_161 : vector<16x1xi32> to vector<16xi32>
        %gather3A_163 = tpu.dynamic_gather %scan3A_100#2[%gather3A_162] in [0] : vector<16xf32>, vector<16xi32> -> vector<16xf32>
        %add3A_164 = arith.addf %scan3A_100#2, %gather3A_163 : vector<16xf32>
        %xor3A_165 = arith.constant 4 : i32
        %xor3A_166 = vector.broadcast %xor3A_165 : i32 to vector<16xi32>
        %xor3A_167 = arith.xori %iota3A_157, %xor3A_166 : vector<16xi32>
        %broadcast_in_dim3A_168 = vector.shape_cast %xor3A_167 : vector<16xi32> to vector<16x1xi32>
        %gather3A_169 = vector.shape_cast %broadcast_in_dim3A_168 : vector<16x1xi32> to vector<16xi32>
        %gather3A_170 = tpu.dynamic_gather %add3A_164[%gather3A_169] in [0] : vector<16xf32>, vector<16xi32> -> vector<16xf32>
        %add3A_171 = arith.addf %add3A_164, %gather3A_170 : vector<16xf32>
        %xor3A_172 = arith.constant 2 : i32
        %xor3A_173 = vector.broadcast %xor3A_172 : i32 to vector<16xi32>
        %xor3A_174 = arith.xori %iota3A_157, %xor3A_173 : vector<16xi32>
        %broadcast_in_dim3A_175 = vector.shape_cast %xor3A_174 : vector<16xi32> to vector<16x1xi32>
        %gather3A_176 = vector.shape_cast %broadcast_in_dim3A_175 : vector<16x1xi32> to vector<16xi32>
        %gather3A_177 = tpu.dynamic_gather %add3A_171[%gather3A_176] in [0] : vector<16xf32>, vector<16xi32> -> vector<16xf32>
        %add3A_178 = arith.addf %add3A_171, %gather3A_177 : vector<16xf32>
        %xor3A_179 = arith.constant 1 : i32
        %xor3A_180 = vector.broadcast %xor3A_179 : i32 to vector<16xi32>
        %xor3A_181 = arith.xori %iota3A_157, %xor3A_180 : vector<16xi32>
        %broadcast_in_dim3A_182 = vector.shape_cast %xor3A_181 : vector<16xi32> to vector<16x1xi32>
        %gather3A_183 = vector.shape_cast %broadcast_in_dim3A_182 : vector<16x1xi32> to vector<16xi32>
        %gather3A_184 = tpu.dynamic_gather %add3A_178[%gather3A_183] in [0] : vector<16xf32>, vector<16xi32> -> vector<16xf32>
        %add3A_185 = arith.addf %add3A_178, %gather3A_184 : vector<16xf32>
        %max3A = arith.constant 1.000000e-24 : f32
        %max3A_186 = vector.broadcast %max3A : f32 to vector<16xf32>
        %max3A_187 = arith.maximumf %add3A_185, %max3A_186 : vector<16xf32>
        %iota3A_188 = tpu.iota {dimensions = array<i32: 0>} : vector<16xi32>
        %xor3A_189 = arith.constant 8 : i32
        %xor3A_190 = vector.broadcast %xor3A_189 : i32 to vector<16xi32>
        %xor3A_191 = arith.xori %iota3A_188, %xor3A_190 : vector<16xi32>
        %broadcast_in_dim3A_192 = vector.shape_cast %xor3A_191 : vector<16xi32> to vector<16x1xi32>
        %gather3A_193 = vector.shape_cast %broadcast_in_dim3A_192 : vector<16x1xi32> to vector<16xi32>
        %gather3A_194 = tpu.dynamic_gather %scan3A_100#3[%gather3A_193] in [0] : vector<16xf32>, vector<16xi32> -> vector<16xf32>
        %add3A_195 = arith.addf %scan3A_100#3, %gather3A_194 : vector<16xf32>
        %xor3A_196 = arith.constant 4 : i32
        %xor3A_197 = vector.broadcast %xor3A_196 : i32 to vector<16xi32>
        %xor3A_198 = arith.xori %iota3A_188, %xor3A_197 : vector<16xi32>
        %broadcast_in_dim3A_199 = vector.shape_cast %xor3A_198 : vector<16xi32> to vector<16x1xi32>
        %gather3A_200 = vector.shape_cast %broadcast_in_dim3A_199 : vector<16x1xi32> to vector<16xi32>
        %gather3A_201 = tpu.dynamic_gather %add3A_195[%gather3A_200] in [0] : vector<16xf32>, vector<16xi32> -> vector<16xf32>
        %add3A_202 = arith.addf %add3A_195, %gather3A_201 : vector<16xf32>
        %xor3A_203 = arith.constant 2 : i32
        %xor3A_204 = vector.broadcast %xor3A_203 : i32 to vector<16xi32>
        %xor3A_205 = arith.xori %iota3A_188, %xor3A_204 : vector<16xi32>
        %broadcast_in_dim3A_206 = vector.shape_cast %xor3A_205 : vector<16xi32> to vector<16x1xi32>
        %gather3A_207 = vector.shape_cast %broadcast_in_dim3A_206 : vector<16x1xi32> to vector<16xi32>
        %gather3A_208 = tpu.dynamic_gather %add3A_202[%gather3A_207] in [0] : vector<16xf32>, vector<16xi32> -> vector<16xf32>
        %add3A_209 = arith.addf %add3A_202, %gather3A_208 : vector<16xf32>
        %xor3A_210 = arith.constant 1 : i32
        %xor3A_211 = vector.broadcast %xor3A_210 : i32 to vector<16xi32>
        %xor3A_212 = arith.xori %iota3A_188, %xor3A_211 : vector<16xi32>
        %broadcast_in_dim3A_213 = vector.shape_cast %xor3A_212 : vector<16xi32> to vector<16x1xi32>
        %gather3A_214 = vector.shape_cast %broadcast_in_dim3A_213 : vector<16x1xi32> to vector<16xi32>
        %gather3A_215 = tpu.dynamic_gather %add3A_209[%gather3A_214] in [0] : vector<16xf32>, vector<16xi32> -> vector<16xf32>
        %add3A_216 = arith.addf %add3A_209, %gather3A_215 : vector<16xf32>
        %max3A_217 = arith.constant 1.000000e-24 : f32
        %max3A_218 = vector.broadcast %max3A_217 : f32 to vector<16xf32>
        %max3A_219 = arith.maximumf %add3A_216, %max3A_218 : vector<16xf32>
        %bitcast_convert_type3A = tpu.bitcast %max3A_187 : vector<16xf32> -> vector<16xi32>
        %shift_right_logical3A = arith.constant 1 : i32
        %shift_right_logical3A_220 = vector.broadcast %shift_right_logical3A : i32 to vector<16xi32>
        %shift_right_logical3A_221 = arith.shrui %bitcast_convert_type3A, %shift_right_logical3A_220 : vector<16xi32>
        %sub3A = arith.constant 1597463007 : i32
        %sub3A_222 = vector.broadcast %sub3A : i32 to vector<16xi32>
        %sub3A_223 = arith.subi %sub3A_222, %shift_right_logical3A_221 : vector<16xi32>
        %bitcast_convert_type3A_224 = tpu.bitcast %sub3A_223 : vector<16xi32> -> vector<16xf32>
        %mul3A_225 = arith.constant 5.000000e-01 : f32
        %mul3A_226 = vector.broadcast %mul3A_225 : f32 to vector<16xf32>
        %mul3A_227 = arith.mulf %mul3A_226, %max3A_187 : vector<16xf32>
        %mul3A_228 = arith.mulf %mul3A_227, %bitcast_convert_type3A_224 : vector<16xf32>
        %mul3A_229 = arith.mulf %mul3A_228, %bitcast_convert_type3A_224 : vector<16xf32>
        %sub3A_230 = arith.constant 1.500000e+00 : f32
        %sub3A_231 = vector.broadcast %sub3A_230 : f32 to vector<16xf32>
        %sub3A_232 = arith.subf %sub3A_231, %mul3A_229 : vector<16xf32>
        %mul3A_233 = arith.mulf %bitcast_convert_type3A_224, %sub3A_232 : vector<16xf32>
        %mul3A_234 = arith.constant 5.000000e-01 : f32
        %mul3A_235 = vector.broadcast %mul3A_234 : f32 to vector<16xf32>
        %mul3A_236 = arith.mulf %mul3A_235, %max3A_187 : vector<16xf32>
        %mul3A_237 = arith.mulf %mul3A_236, %mul3A_233 : vector<16xf32>
        %mul3A_238 = arith.mulf %mul3A_237, %mul3A_233 : vector<16xf32>
        %sub3A_239 = arith.constant 1.500000e+00 : f32
        %sub3A_240 = vector.broadcast %sub3A_239 : f32 to vector<16xf32>
        %sub3A_241 = arith.subf %sub3A_240, %mul3A_238 : vector<16xf32>
        %mul3A_242 = arith.mulf %mul3A_233, %sub3A_241 : vector<16xf32>
        %mul3A_243 = arith.constant 5.000000e-01 : f32
        %mul3A_244 = vector.broadcast %mul3A_243 : f32 to vector<16xf32>
        %mul3A_245 = arith.mulf %mul3A_244, %max3A_187 : vector<16xf32>
        %mul3A_246 = arith.mulf %mul3A_245, %mul3A_242 : vector<16xf32>
        %mul3A_247 = arith.mulf %mul3A_246, %mul3A_242 : vector<16xf32>
        %sub3A_248 = arith.constant 1.500000e+00 : f32
        %sub3A_249 = vector.broadcast %sub3A_248 : f32 to vector<16xf32>
        %sub3A_250 = arith.subf %sub3A_249, %mul3A_247 : vector<16xf32>
        %mul3A_251 = arith.mulf %mul3A_242, %sub3A_250 : vector<16xf32>
        %mul3A_252 = arith.mulf %add3A_127, %mul3A_251 : vector<16xf32>
        %bitcast_convert_type3A_253 = tpu.bitcast %max3A_219 : vector<16xf32> -> vector<16xi32>
        %shift_right_logical3A_254 = arith.constant 1 : i32
        %shift_right_logical3A_255 = vector.broadcast %shift_right_logical3A_254 : i32 to vector<16xi32>
        %shift_right_logical3A_256 = arith.shrui %bitcast_convert_type3A_253, %shift_right_logical3A_255 : vector<16xi32>
        %sub3A_257 = arith.constant 1597463007 : i32
        %sub3A_258 = vector.broadcast %sub3A_257 : i32 to vector<16xi32>
        %sub3A_259 = arith.subi %sub3A_258, %shift_right_logical3A_256 : vector<16xi32>
        %bitcast_convert_type3A_260 = tpu.bitcast %sub3A_259 : vector<16xi32> -> vector<16xf32>
        %mul3A_261 = arith.constant 5.000000e-01 : f32
        %mul3A_262 = vector.broadcast %mul3A_261 : f32 to vector<16xf32>
        %mul3A_263 = arith.mulf %mul3A_262, %max3A_219 : vector<16xf32>
        %mul3A_264 = arith.mulf %mul3A_263, %bitcast_convert_type3A_260 : vector<16xf32>
        %mul3A_265 = arith.mulf %mul3A_264, %bitcast_convert_type3A_260 : vector<16xf32>
        %sub3A_266 = arith.constant 1.500000e+00 : f32
        %sub3A_267 = vector.broadcast %sub3A_266 : f32 to vector<16xf32>
        %sub3A_268 = arith.subf %sub3A_267, %mul3A_265 : vector<16xf32>
        %mul3A_269 = arith.mulf %bitcast_convert_type3A_260, %sub3A_268 : vector<16xf32>
        %mul3A_270 = arith.constant 5.000000e-01 : f32
        %mul3A_271 = vector.broadcast %mul3A_270 : f32 to vector<16xf32>
        %mul3A_272 = arith.mulf %mul3A_271, %max3A_219 : vector<16xf32>
        %mul3A_273 = arith.mulf %mul3A_272, %mul3A_269 : vector<16xf32>
        %mul3A_274 = arith.mulf %mul3A_273, %mul3A_269 : vector<16xf32>
        %sub3A_275 = arith.constant 1.500000e+00 : f32
        %sub3A_276 = vector.broadcast %sub3A_275 : f32 to vector<16xf32>
        %sub3A_277 = arith.subf %sub3A_276, %mul3A_274 : vector<16xf32>
        %mul3A_278 = arith.mulf %mul3A_269, %sub3A_277 : vector<16xf32>
        %mul3A_279 = arith.constant 5.000000e-01 : f32
        %mul3A_280 = vector.broadcast %mul3A_279 : f32 to vector<16xf32>
        %mul3A_281 = arith.mulf %mul3A_280, %max3A_219 : vector<16xf32>
        %mul3A_282 = arith.mulf %mul3A_281, %mul3A_278 : vector<16xf32>
        %mul3A_283 = arith.mulf %mul3A_282, %mul3A_278 : vector<16xf32>
        %sub3A_284 = arith.constant 1.500000e+00 : f32
        %sub3A_285 = vector.broadcast %sub3A_284 : f32 to vector<16xf32>
        %sub3A_286 = arith.subf %sub3A_285, %mul3A_283 : vector<16xf32>
        %mul3A_287 = arith.mulf %mul3A_278, %sub3A_286 : vector<16xf32>
        %mul3A_288 = arith.mulf %add3A_156, %mul3A_287 : vector<16xf32>
        %add3A_289 = arith.addf %mul3A_252, %mul3A_288 : vector<16xf32>
        %mul3A_290 = arith.constant 5.000000e-01 : f32
        %mul3A_291 = vector.broadcast %mul3A_290 : f32 to vector<16xf32>
        %mul3A_292 = arith.mulf %mul3A_291, %add3A_289 : vector<16xf32>
        %sub3A_293 = arith.constant 1.000000e+00 : f32
        %sub3A_294 = vector.broadcast %sub3A_293 : f32 to vector<16xf32>
        %sub3A_295 = arith.subf %sub3A_294, %mul3A_292 : vector<16xf32>
        %add3A_296 = arith.addf %scan3A_93, %sub3A_295 : vector<16xf32>
        scf.yield %add3A_296 : vector<16xf32>
      }
      %scan3A_57 = arith.constant 16 : i32
      %mul3A_58 = arith.constant 2 : i32
      %mul3A_59 = arith.muli %scan3A_26, %mul3A_58 : i32
      %add3A_60 = arith.constant 1 : i32
      %add3A_61 = arith.addi %mul3A_59, %add3A_60 : i32
      %add3A_62 = arith.constant 1 : i32
      %add3A_63 = arith.addi %add3A_61, %add3A_62 : i32
      %lt3A_64 = arith.constant 14 : i32
      %lt3A_65 = arith.cmpi slt, %add3A_63, %lt3A_64 : i32
      %convert_element_type3A_66 = arith.extui %lt3A_65 : i1 to i32
      %cond3A_67 = arith.constant 0 : i32
      %cond3A_68 = arith.cmpi ne, %convert_element_type3A_66, %cond3A_67 : i32
      scf.if %cond3A_68 {
        %add3A_92 = arith.constant 1 : i32
        %add3A_93 = arith.addi %add3A_61, %add3A_92 : i32
        %mul3A_94 = arith.constant 16 : i32
        %mul3A_95 = arith.muli %add3A_93, %mul3A_94 : i32
        %add3A_96 = arith.addi %mul3A_2, %mul3A_95 : i32
        %mul3A_97 = arith.constant 16 : i32
        %mul3A_98 = arith.muli %add3A_93, %mul3A_97 : i32
        %dma_start3A_99 = tpu.memref_slice %arg7[%mul3A_98] : memref<240xi32, #tpu.memory_space<vmem>> -> memref<16xi32, #tpu.memory_space<vmem>>
        %dma_start3A_100 = arith.constant 0 : i32
        %dma_start3A_101 = arith.constant 0 : i32
        %dma_start3A_102 = tpu.memref_slice %arg5[%dma_start3A_100, %dma_start3A_101] : memref<1000x512xi32, #tpu.memory_space<hbm>> -> memref<1000x512xi32, #tpu.memory_space<hbm>>
        tpu.enqueue_indirect_dma source(%dma_start3A_102 : memref<1000x512xi32, #tpu.memory_space<hbm>>) target(%arg12 : memref<16x512xi32, #tpu.memory_space<vmem>>) offsets(%dma_start3A_99 : memref<16xi32, #tpu.memory_space<vmem>>) semaphore(%arg15 : memref<!tpu.dma_semaphore, #tpu.memory_space<semaphore_mem>>)
        %dma_start3A_103 = arith.constant 0 : i32
        %dma_start3A_104 = tpu.memref_slice %arg2[%add3A_96, %dma_start3A_103] : memref<16384x1024xf32, #tpu.memory_space<hbm>> -> memref<16x1024xf32, #tpu.memory_space<hbm>>
        %dma_start3A_105 = arith.constant 0 : i32
        %dma_start3A_106 = tpu.memref_slice %arg2[%add3A_96, %dma_start3A_105] : memref<16384x1024xf32, #tpu.memory_space<hbm>> -> memref<16x1024xf32, #tpu.memory_space<hbm>>
        tpu.enqueue_dma source(%dma_start3A_106 : memref<16x1024xf32, #tpu.memory_space<hbm>>) target(%arg8 : memref<16x1024xf32, #tpu.memory_space<vmem>>) target_semaphore(%arg15 : memref<!tpu.dma_semaphore, #tpu.memory_space<semaphore_mem>>)
        %dma_start3A_107 = arith.constant 0 : i32
        %dma_start3A_108 = tpu.memref_slice %arg3[%add3A_96, %dma_start3A_107] : memref<16384x1024xf32, #tpu.memory_space<hbm>> -> memref<16x1024xf32, #tpu.memory_space<hbm>>
        %dma_start3A_109 = arith.constant 0 : i32
        %dma_start3A_110 = tpu.memref_slice %arg3[%add3A_96, %dma_start3A_109] : memref<16384x1024xf32, #tpu.memory_space<hbm>> -> memref<16x1024xf32, #tpu.memory_space<hbm>>
        tpu.enqueue_dma source(%dma_start3A_110 : memref<16x1024xf32, #tpu.memory_space<hbm>>) target(%arg10 : memref<16x1024xf32, #tpu.memory_space<vmem>>) target_semaphore(%arg15 : memref<!tpu.dma_semaphore, #tpu.memory_space<semaphore_mem>>)
      } else {
      }
      %mul3A_69 = arith.constant 16 : i32
      %mul3A_70 = arith.muli %add3A_61, %mul3A_69 : i32
      %add3A_71 = arith.addi %mul3A_2, %mul3A_70 : i32
      %mul3A_72 = arith.constant 16 : i32
      %mul3A_73 = arith.muli %add3A_61, %mul3A_72 : i32
      %dma_wait3A_74 = tpu.memref_slice %arg7[%mul3A_73] : memref<240xi32, #tpu.memory_space<vmem>> -> memref<16xi32, #tpu.memory_space<vmem>>
      %dma_wait3A_75 = arith.constant 0 : i32
      %dma_wait3A_76 = arith.constant 0 : i32
      %dma_wait3A_77 = tpu.memref_slice %arg5[%dma_wait3A_75, %dma_wait3A_76] : memref<1000x512xi32, #tpu.memory_space<hbm>> -> memref<1000x512xi32, #tpu.memory_space<hbm>>
      tpu.wait_indirect_dma semaphore(%arg16 : memref<!tpu.dma_semaphore, #tpu.memory_space<semaphore_mem>>) src(%dma_wait3A_77 : memref<1000x512xi32, #tpu.memory_space<hbm>>) dst(%arg13 : memref<16x512xi32, #tpu.memory_space<vmem>>)
      %dma_wait3A_78 = arith.constant 0 : i32
      %dma_wait3A_79 = tpu.memref_slice %arg2[%add3A_71, %dma_wait3A_78] : memref<16384x1024xf32, #tpu.memory_space<hbm>> -> memref<16x1024xf32, #tpu.memory_space<hbm>>
      %dma_wait3A_80 = arith.constant 0 : i32
      %dma_wait3A_81 = tpu.memref_slice %arg2[%add3A_71, %dma_wait3A_80] : memref<16384x1024xf32, #tpu.memory_space<hbm>> -> memref<16x1024xf32, #tpu.memory_space<hbm>>
      tpu.wait_dma2 semaphore(%arg16 : memref<!tpu.dma_semaphore, #tpu.memory_space<semaphore_mem>>) src(%dma_wait3A_81 : memref<16x1024xf32, #tpu.memory_space<hbm>>) dst(%arg9 : memref<16x1024xf32, #tpu.memory_space<vmem>>)
      %dma_wait3A_82 = arith.constant 0 : i32
      %dma_wait3A_83 = tpu.memref_slice %arg3[%add3A_71, %dma_wait3A_82] : memref<16384x1024xf32, #tpu.memory_space<hbm>> -> memref<16x1024xf32, #tpu.memory_space<hbm>>
      %dma_wait3A_84 = arith.constant 0 : i32
      %dma_wait3A_85 = tpu.memref_slice %arg3[%add3A_71, %dma_wait3A_84] : memref<16384x1024xf32, #tpu.memory_space<hbm>> -> memref<16x1024xf32, #tpu.memory_space<hbm>>
      tpu.wait_dma2 semaphore(%arg16 : memref<!tpu.dma_semaphore, #tpu.memory_space<semaphore_mem>>) src(%dma_wait3A_85 : memref<16x1024xf32, #tpu.memory_space<hbm>>) dst(%arg11 : memref<16x1024xf32, #tpu.memory_space<vmem>>)
      %scan3A_86 = arith.constant 0 : i32
      %scan3A_87 = arith.constant 16 : i32
      %scan3A_88 = arith.addi %scan3A_86, %scan3A_87 : i32
      %scan3A_89 = arith.constant 1 : i32
      %scan3A_90 = scf.for %scan3A_92 = %scan3A_86 to %scan3A_88 step %scan3A_89 iter_args(%scan3A_93 = %scan3A_56) -> (vector<16xf32>)  : i32 {
        %broadcast_in_dim3A_94 = arith.constant 0.000000e+00 : f32
        %broadcast_in_dim3A_95 = vector.broadcast %broadcast_in_dim3A_94 : f32 to vector<16xf32>
        %scan3A_96 = arith.constant 0 : i32
        %scan3A_97 = arith.constant 32 : i32
        %scan3A_98 = arith.addi %scan3A_96, %scan3A_97 : i32
        %scan3A_99 = arith.constant 4 : i32
        %scan3A_100:4 = scf.for %scan3A_297 = %scan3A_96 to %scan3A_98 step %scan3A_99 iter_args(%scan3A_298 = %broadcast_in_dim3A_95, %scan3A_299 = %broadcast_in_dim3A_95, %scan3A_300 = %broadcast_in_dim3A_95, %scan3A_301 = %broadcast_in_dim3A_95) -> (vector<16xf32>, vector<16xf32>, vector<16xf32>, vector<16xf32>)  : i32 {
          %mul3A_302 = arith.constant 16 : i32
          %mul3A_303 = arith.muli %scan3A_297, %mul3A_302 : i32
          %get3A = arith.index_cast %scan3A_92 : i32 to index
          %get3A_304 = arith.index_cast %mul3A_303 : i32 to index
          %get3A_305 = tpu.vector_load %arg13[%get3A, %get3A_304] {strides = array<i32>} : memref<16x512xi32, #tpu.memory_space<vmem>>, vector<1x16xi32>,
          %get3A_306 = vector.shape_cast %get3A_305 : vector<1x16xi32> to vector<16xi32>
          %shift_left3A = arith.constant 16 : i32
          %shift_left3A_307 = vector.broadcast %shift_left3A : i32 to vector<16xi32>
          %shift_left3A_308 = arith.shli %get3A_306, %shift_left3A_307 : vector<16xi32>
          %bitcast_convert_type3A_309 = tpu.bitcast %shift_left3A_308 : vector<16xi32> -> vector<16xf32>
          %and3A = arith.constant -65536 : i32
          %and3A_310 = vector.broadcast %and3A : i32 to vector<16xi32>
          %and3A_311 = arith.andi %get3A_306, %and3A_310 : vector<16xi32>
          %bitcast_convert_type3A_312 = tpu.bitcast %and3A_311 : vector<16xi32> -> vector<16xf32>
          %mul3A_313 = arith.constant 2 : i32
          %mul3A_314 = arith.muli %scan3A_297, %mul3A_313 : i32
          %mul3A_315 = arith.constant 16 : i32
          %mul3A_316 = arith.muli %mul3A_314, %mul3A_315 : i32
          %get3A_317 = arith.index_cast %scan3A_92 : i32 to index
          %get3A_318 = arith.index_cast %mul3A_316 : i32 to index
          %get3A_319 = tpu.vector_load %arg9[%get3A_317, %get3A_318] {strides = array<i32>} : memref<16x1024xf32, #tpu.memory_space<vmem>>, vector<1x16xf32>,
          %get3A_320 = vector.shape_cast %get3A_319 : vector<1x16xf32> to vector<16xf32>
          %mul3A_321 = arith.constant 2 : i32
          %mul3A_322 = arith.muli %scan3A_297, %mul3A_321 : i32
          %mul3A_323 = arith.constant 16 : i32
          %mul3A_324 = arith.muli %mul3A_322, %mul3A_323 : i32
          %add3A_325 = arith.constant 16 : i32
          %add3A_326 = arith.addi %mul3A_324, %add3A_325 : i32
          %get3A_327 = arith.index_cast %scan3A_92 : i32 to index
          %get3A_328 = arith.index_cast %add3A_326 : i32 to index
          %get3A_329 = tpu.vector_load %arg9[%get3A_327, %get3A_328] {strides = array<i32>} : memref<16x1024xf32, #tpu.memory_space<vmem>>, vector<1x16xf32>,
          %get3A_330 = vector.shape_cast %get3A_329 : vector<1x16xf32> to vector<16xf32>
          %mul3A_331 = arith.constant 2 : i32
          %mul3A_332 = arith.muli %scan3A_297, %mul3A_331 : i32
          %mul3A_333 = arith.constant 16 : i32
          %mul3A_334 = arith.muli %mul3A_332, %mul3A_333 : i32
          %get3A_335 = arith.index_cast %scan3A_92 : i32 to index
          %get3A_336 = arith.index_cast %mul3A_334 : i32 to index
          %get3A_337 = tpu.vector_load %arg11[%get3A_335, %get3A_336] {strides = array<i32>} : memref<16x1024xf32, #tpu.memory_space<vmem>>, vector<1x16xf32>,
          %get3A_338 = vector.shape_cast %get3A_337 : vector<1x16xf32> to vector<16xf32>
          %mul3A_339 = arith.constant 2 : i32
          %mul3A_340 = arith.muli %scan3A_297, %mul3A_339 : i32
          %mul3A_341 = arith.constant 16 : i32
          %mul3A_342 = arith.muli %mul3A_340, %mul3A_341 : i32
          %add3A_343 = arith.constant 16 : i32
          %add3A_344 = arith.addi %mul3A_342, %add3A_343 : i32
          %get3A_345 = arith.index_cast %scan3A_92 : i32 to index
          %get3A_346 = arith.index_cast %add3A_344 : i32 to index
          %get3A_347 = tpu.vector_load %arg11[%get3A_345, %get3A_346] {strides = array<i32>} : memref<16x1024xf32, #tpu.memory_space<vmem>>, vector<1x16xf32>,
          %get3A_348 = vector.shape_cast %get3A_347 : vector<1x16xf32> to vector<16xf32>
          %mul3A_349 = arith.mulf %get3A_320, %bitcast_convert_type3A_309 : vector<16xf32>
          %add3A_350 = arith.addf %scan3A_298, %mul3A_349 : vector<16xf32>
          %mul3A_351 = arith.mulf %get3A_330, %bitcast_convert_type3A_312 : vector<16xf32>
          %add3A_352 = arith.addf %add3A_350, %mul3A_351 : vector<16xf32>
          %mul3A_353 = arith.mulf %get3A_338, %bitcast_convert_type3A_309 : vector<16xf32>
          %add3A_354 = arith.addf %scan3A_299, %mul3A_353 : vector<16xf32>
          %mul3A_355 = arith.mulf %get3A_348, %bitcast_convert_type3A_312 : vector<16xf32>
          %add3A_356 = arith.addf %add3A_354, %mul3A_355 : vector<16xf32>
          %mul3A_357 = arith.mulf %get3A_320, %get3A_320 : vector<16xf32>
          %add3A_358 = arith.addf %scan3A_300, %mul3A_357 : vector<16xf32>
          %mul3A_359 = arith.mulf %get3A_330, %get3A_330 : vector<16xf32>
          %add3A_360 = arith.addf %add3A_358, %mul3A_359 : vector<16xf32>
          %mul3A_361 = arith.mulf %get3A_338, %get3A_338 : vector<16xf32>
          %add3A_362 = arith.addf %scan3A_301, %mul3A_361 : vector<16xf32>
          %mul3A_363 = arith.mulf %get3A_348, %get3A_348 : vector<16xf32>
          %add3A_364 = arith.addf %add3A_362, %mul3A_363 : vector<16xf32>
          %scan3A_365 = arith.constant 1 : i32
          %scan3A_366 = arith.addi %scan3A_297, %scan3A_365 : i32
          %mul3A_367 = arith.constant 16 : i32
          %mul3A_368 = arith.muli %scan3A_366, %mul3A_367 : i32
          %get3A_369 = arith.index_cast %scan3A_92 : i32 to index
          %get3A_370 = arith.index_cast %mul3A_368 : i32 to index
          %get3A_371 = tpu.vector_load %arg13[%get3A_369, %get3A_370] {strides = array<i32>} : memref<16x512xi32, #tpu.memory_space<vmem>>, vector<1x16xi32>,
          %get3A_372 = vector.shape_cast %get3A_371 : vector<1x16xi32> to vector<16xi32>
          %shift_left3A_373 = arith.constant 16 : i32
          %shift_left3A_374 = vector.broadcast %shift_left3A_373 : i32 to vector<16xi32>
          %shift_left3A_375 = arith.shli %get3A_372, %shift_left3A_374 : vector<16xi32>
          %bitcast_convert_type3A_376 = tpu.bitcast %shift_left3A_375 : vector<16xi32> -> vector<16xf32>
          %and3A_377 = arith.constant -65536 : i32
          %and3A_378 = vector.broadcast %and3A_377 : i32 to vector<16xi32>
          %and3A_379 = arith.andi %get3A_372, %and3A_378 : vector<16xi32>
          %bitcast_convert_type3A_380 = tpu.bitcast %and3A_379 : vector<16xi32> -> vector<16xf32>
          %mul3A_381 = arith.constant 2 : i32
          %mul3A_382 = arith.muli %scan3A_366, %mul3A_381 : i32
          %mul3A_383 = arith.constant 16 : i32
          %mul3A_384 = arith.muli %mul3A_382, %mul3A_383 : i32
          %get3A_385 = arith.index_cast %scan3A_92 : i32 to index
          %get3A_386 = arith.index_cast %mul3A_384 : i32 to index
          %get3A_387 = tpu.vector_load %arg9[%get3A_385, %get3A_386] {strides = array<i32>} : memref<16x1024xf32, #tpu.memory_space<vmem>>, vector<1x16xf32>,
          %get3A_388 = vector.shape_cast %get3A_387 : vector<1x16xf32> to vector<16xf32>
          %mul3A_389 = arith.constant 2 : i32
          %mul3A_390 = arith.muli %scan3A_366, %mul3A_389 : i32
          %mul3A_391 = arith.constant 16 : i32
          %mul3A_392 = arith.muli %mul3A_390, %mul3A_391 : i32
          %add3A_393 = arith.constant 16 : i32
          %add3A_394 = arith.addi %mul3A_392, %add3A_393 : i32
          %get3A_395 = arith.index_cast %scan3A_92 : i32 to index
          %get3A_396 = arith.index_cast %add3A_394 : i32 to index
          %get3A_397 = tpu.vector_load %arg9[%get3A_395, %get3A_396] {strides = array<i32>} : memref<16x1024xf32, #tpu.memory_space<vmem>>, vector<1x16xf32>,
          %get3A_398 = vector.shape_cast %get3A_397 : vector<1x16xf32> to vector<16xf32>
          %mul3A_399 = arith.constant 2 : i32
          %mul3A_400 = arith.muli %scan3A_366, %mul3A_399 : i32
          %mul3A_401 = arith.constant 16 : i32
          %mul3A_402 = arith.muli %mul3A_400, %mul3A_401 : i32
          %get3A_403 = arith.index_cast %scan3A_92 : i32 to index
          %get3A_404 = arith.index_cast %mul3A_402 : i32 to index
          %get3A_405 = tpu.vector_load %arg11[%get3A_403, %get3A_404] {strides = array<i32>} : memref<16x1024xf32, #tpu.memory_space<vmem>>, vector<1x16xf32>,
          %get3A_406 = vector.shape_cast %get3A_405 : vector<1x16xf32> to vector<16xf32>
          %mul3A_407 = arith.constant 2 : i32
          %mul3A_408 = arith.muli %scan3A_366, %mul3A_407 : i32
          %mul3A_409 = arith.constant 16 : i32
          %mul3A_410 = arith.muli %mul3A_408, %mul3A_409 : i32
          %add3A_411 = arith.constant 16 : i32
          %add3A_412 = arith.addi %mul3A_410, %add3A_411 : i32
          %get3A_413 = arith.index_cast %scan3A_92 : i32 to index
          %get3A_414 = arith.index_cast %add3A_412 : i32 to index
          %get3A_415 = tpu.vector_load %arg11[%get3A_413, %get3A_414] {strides = array<i32>} : memref<16x1024xf32, #tpu.memory_space<vmem>>, vector<1x16xf32>,
          %get3A_416 = vector.shape_cast %get3A_415 : vector<1x16xf32> to vector<16xf32>
          %mul3A_417 = arith.mulf %get3A_388, %bitcast_convert_type3A_376 : vector<16xf32>
          %add3A_418 = arith.addf %add3A_352, %mul3A_417 : vector<16xf32>
          %mul3A_419 = arith.mulf %get3A_398, %bitcast_convert_type3A_380 : vector<16xf32>
          %add3A_420 = arith.addf %add3A_418, %mul3A_419 : vector<16xf32>
          %mul3A_421 = arith.mulf %get3A_406, %bitcast_convert_type3A_376 : vector<16xf32>
          %add3A_422 = arith.addf %add3A_356, %mul3A_421 : vector<16xf32>
          %mul3A_423 = arith.mulf %get3A_416, %bitcast_convert_type3A_380 : vector<16xf32>
          %add3A_424 = arith.addf %add3A_422, %mul3A_423 : vector<16xf32>
          %mul3A_425 = arith.mulf %get3A_388, %get3A_388 : vector<16xf32>
          %add3A_426 = arith.addf %add3A_360, %mul3A_425 : vector<16xf32>
          %mul3A_427 = arith.mulf %get3A_398, %get3A_398 : vector<16xf32>
          %add3A_428 = arith.addf %add3A_426, %mul3A_427 : vector<16xf32>
          %mul3A_429 = arith.mulf %get3A_406, %get3A_406 : vector<16xf32>
          %add3A_430 = arith.addf %add3A_364, %mul3A_429 : vector<16xf32>
          %mul3A_431 = arith.mulf %get3A_416, %get3A_416 : vector<16xf32>
          %add3A_432 = arith.addf %add3A_430, %mul3A_431 : vector<16xf32>
          %scan3A_433 = arith.constant 2 : i32
          %scan3A_434 = arith.addi %scan3A_297, %scan3A_433 : i32
          %mul3A_435 = arith.constant 16 : i32
          %mul3A_436 = arith.muli %scan3A_434, %mul3A_435 : i32
          %get3A_437 = arith.index_cast %scan3A_92 : i32 to index
          %get3A_438 = arith.index_cast %mul3A_436 : i32 to index
          %get3A_439 = tpu.vector_load %arg13[%get3A_437, %get3A_438] {strides = array<i32>} : memref<16x512xi32, #tpu.memory_space<vmem>>, vector<1x16xi32>,
          %get3A_440 = vector.shape_cast %get3A_439 : vector<1x16xi32> to vector<16xi32>
          %shift_left3A_441 = arith.constant 16 : i32
          %shift_left3A_442 = vector.broadcast %shift_left3A_441 : i32 to vector<16xi32>
          %shift_left3A_443 = arith.shli %get3A_440, %shift_left3A_442 : vector<16xi32>
          %bitcast_convert_type3A_444 = tpu.bitcast %shift_left3A_443 : vector<16xi32> -> vector<16xf32>
          %and3A_445 = arith.constant -65536 : i32
          %and3A_446 = vector.broadcast %and3A_445 : i32 to vector<16xi32>
          %and3A_447 = arith.andi %get3A_440, %and3A_446 : vector<16xi32>
          %bitcast_convert_type3A_448 = tpu.bitcast %and3A_447 : vector<16xi32> -> vector<16xf32>
          %mul3A_449 = arith.constant 2 : i32
          %mul3A_450 = arith.muli %scan3A_434, %mul3A_449 : i32
          %mul3A_451 = arith.constant 16 : i32
          %mul3A_452 = arith.muli %mul3A_450, %mul3A_451 : i32
          %get3A_453 = arith.index_cast %scan3A_92 : i32 to index
          %get3A_454 = arith.index_cast %mul3A_452 : i32 to index
          %get3A_455 = tpu.vector_load %arg9[%get3A_453, %get3A_454] {strides = array<i32>} : memref<16x1024xf32, #tpu.memory_space<vmem>>, vector<1x16xf32>,
          %get3A_456 = vector.shape_cast %get3A_455 : vector<1x16xf32> to vector<16xf32>
          %mul3A_457 = arith.constant 2 : i32
          %mul3A_458 = arith.muli %scan3A_434, %mul3A_457 : i32
          %mul3A_459 = arith.constant 16 : i32
          %mul3A_460 = arith.muli %mul3A_458, %mul3A_459 : i32
          %add3A_461 = arith.constant 16 : i32
          %add3A_462 = arith.addi %mul3A_460, %add3A_461 : i32
          %get3A_463 = arith.index_cast %scan3A_92 : i32 to index
          %get3A_464 = arith.index_cast %add3A_462 : i32 to index
          %get3A_465 = tpu.vector_load %arg9[%get3A_463, %get3A_464] {strides = array<i32>} : memref<16x1024xf32, #tpu.memory_space<vmem>>, vector<1x16xf32>,
          %get3A_466 = vector.shape_cast %get3A_465 : vector<1x16xf32> to vector<16xf32>
          %mul3A_467 = arith.constant 2 : i32
          %mul3A_468 = arith.muli %scan3A_434, %mul3A_467 : i32
          %mul3A_469 = arith.constant 16 : i32
          %mul3A_470 = arith.muli %mul3A_468, %mul3A_469 : i32
          %get3A_471 = arith.index_cast %scan3A_92 : i32 to index
          %get3A_472 = arith.index_cast %mul3A_470 : i32 to index
          %get3A_473 = tpu.vector_load %arg11[%get3A_471, %get3A_472] {strides = array<i32>} : memref<16x1024xf32, #tpu.memory_space<vmem>>, vector<1x16xf32>,
          %get3A_474 = vector.shape_cast %get3A_473 : vector<1x16xf32> to vector<16xf32>
          %mul3A_475 = arith.constant 2 : i32
          %mul3A_476 = arith.muli %scan3A_434, %mul3A_475 : i32
          %mul3A_477 = arith.constant 16 : i32
          %mul3A_478 = arith.muli %mul3A_476, %mul3A_477 : i32
          %add3A_479 = arith.constant 16 : i32
          %add3A_480 = arith.addi %mul3A_478, %add3A_479 : i32
          %get3A_481 = arith.index_cast %scan3A_92 : i32 to index
          %get3A_482 = arith.index_cast %add3A_480 : i32 to index
          %get3A_483 = tpu.vector_load %arg11[%get3A_481, %get3A_482] {strides = array<i32>} : memref<16x1024xf32, #tpu.memory_space<vmem>>, vector<1x16xf32>,
          %get3A_484 = vector.shape_cast %get3A_483 : vector<1x16xf32> to vector<16xf32>
          %mul3A_485 = arith.mulf %get3A_456, %bitcast_convert_type3A_444 : vector<16xf32>
          %add3A_486 = arith.addf %add3A_420, %mul3A_485 : vector<16xf32>
          %mul3A_487 = arith.mulf %get3A_466, %bitcast_convert_type3A_448 : vector<16xf32>
          %add3A_488 = arith.addf %add3A_486, %mul3A_487 : vector<16xf32>
          %mul3A_489 = arith.mulf %get3A_474, %bitcast_convert_type3A_444 : vector<16xf32>
          %add3A_490 = arith.addf %add3A_424, %mul3A_489 : vector<16xf32>
          %mul3A_491 = arith.mulf %get3A_484, %bitcast_convert_type3A_448 : vector<16xf32>
          %add3A_492 = arith.addf %add3A_490, %mul3A_491 : vector<16xf32>
          %mul3A_493 = arith.mulf %get3A_456, %get3A_456 : vector<16xf32>
          %add3A_494 = arith.addf %add3A_428, %mul3A_493 : vector<16xf32>
          %mul3A_495 = arith.mulf %get3A_466, %get3A_466 : vector<16xf32>
          %add3A_496 = arith.addf %add3A_494, %mul3A_495 : vector<16xf32>
          %mul3A_497 = arith.mulf %get3A_474, %get3A_474 : vector<16xf32>
          %add3A_498 = arith.addf %add3A_432, %mul3A_497 : vector<16xf32>
          %mul3A_499 = arith.mulf %get3A_484, %get3A_484 : vector<16xf32>
          %add3A_500 = arith.addf %add3A_498, %mul3A_499 : vector<16xf32>
          %scan3A_501 = arith.constant 3 : i32
          %scan3A_502 = arith.addi %scan3A_297, %scan3A_501 : i32
          %mul3A_503 = arith.constant 16 : i32
          %mul3A_504 = arith.muli %scan3A_502, %mul3A_503 : i32
          %get3A_505 = arith.index_cast %scan3A_92 : i32 to index
          %get3A_506 = arith.index_cast %mul3A_504 : i32 to index
          %get3A_507 = tpu.vector_load %arg13[%get3A_505, %get3A_506] {strides = array<i32>} : memref<16x512xi32, #tpu.memory_space<vmem>>, vector<1x16xi32>,
          %get3A_508 = vector.shape_cast %get3A_507 : vector<1x16xi32> to vector<16xi32>
          %shift_left3A_509 = arith.constant 16 : i32
          %shift_left3A_510 = vector.broadcast %shift_left3A_509 : i32 to vector<16xi32>
          %shift_left3A_511 = arith.shli %get3A_508, %shift_left3A_510 : vector<16xi32>
          %bitcast_convert_type3A_512 = tpu.bitcast %shift_left3A_511 : vector<16xi32> -> vector<16xf32>
          %and3A_513 = arith.constant -65536 : i32
          %and3A_514 = vector.broadcast %and3A_513 : i32 to vector<16xi32>
          %and3A_515 = arith.andi %get3A_508, %and3A_514 : vector<16xi32>
          %bitcast_convert_type3A_516 = tpu.bitcast %and3A_515 : vector<16xi32> -> vector<16xf32>
          %mul3A_517 = arith.constant 2 : i32
          %mul3A_518 = arith.muli %scan3A_502, %mul3A_517 : i32
          %mul3A_519 = arith.constant 16 : i32
          %mul3A_520 = arith.muli %mul3A_518, %mul3A_519 : i32
          %get3A_521 = arith.index_cast %scan3A_92 : i32 to index
          %get3A_522 = arith.index_cast %mul3A_520 : i32 to index
          %get3A_523 = tpu.vector_load %arg9[%get3A_521, %get3A_522] {strides = array<i32>} : memref<16x1024xf32, #tpu.memory_space<vmem>>, vector<1x16xf32>,
          %get3A_524 = vector.shape_cast %get3A_523 : vector<1x16xf32> to vector<16xf32>
          %mul3A_525 = arith.constant 2 : i32
          %mul3A_526 = arith.muli %scan3A_502, %mul3A_525 : i32
          %mul3A_527 = arith.constant 16 : i32
          %mul3A_528 = arith.muli %mul3A_526, %mul3A_527 : i32
          %add3A_529 = arith.constant 16 : i32
          %add3A_530 = arith.addi %mul3A_528, %add3A_529 : i32
          %get3A_531 = arith.index_cast %scan3A_92 : i32 to index
          %get3A_532 = arith.index_cast %add3A_530 : i32 to index
          %get3A_533 = tpu.vector_load %arg9[%get3A_531, %get3A_532] {strides = array<i32>} : memref<16x1024xf32, #tpu.memory_space<vmem>>, vector<1x16xf32>,
          %get3A_534 = vector.shape_cast %get3A_533 : vector<1x16xf32> to vector<16xf32>
          %mul3A_535 = arith.constant 2 : i32
          %mul3A_536 = arith.muli %scan3A_502, %mul3A_535 : i32
          %mul3A_537 = arith.constant 16 : i32
          %mul3A_538 = arith.muli %mul3A_536, %mul3A_537 : i32
          %get3A_539 = arith.index_cast %scan3A_92 : i32 to index
          %get3A_540 = arith.index_cast %mul3A_538 : i32 to index
          %get3A_541 = tpu.vector_load %arg11[%get3A_539, %get3A_540] {strides = array<i32>} : memref<16x1024xf32, #tpu.memory_space<vmem>>, vector<1x16xf32>,
          %get3A_542 = vector.shape_cast %get3A_541 : vector<1x16xf32> to vector<16xf32>
          %mul3A_543 = arith.constant 2 : i32
          %mul3A_544 = arith.muli %scan3A_502, %mul3A_543 : i32
          %mul3A_545 = arith.constant 16 : i32
          %mul3A_546 = arith.muli %mul3A_544, %mul3A_545 : i32
          %add3A_547 = arith.constant 16 : i32
          %add3A_548 = arith.addi %mul3A_546, %add3A_547 : i32
          %get3A_549 = arith.index_cast %scan3A_92 : i32 to index
          %get3A_550 = arith.index_cast %add3A_548 : i32 to index
          %get3A_551 = tpu.vector_load %arg11[%get3A_549, %get3A_550] {strides = array<i32>} : memref<16x1024xf32, #tpu.memory_space<vmem>>, vector<1x16xf32>,
          %get3A_552 = vector.shape_cast %get3A_551 : vector<1x16xf32> to vector<16xf32>
          %mul3A_553 = arith.mulf %get3A_524, %bitcast_convert_type3A_512 : vector<16xf32>
          %add3A_554 = arith.addf %add3A_488, %mul3A_553 : vector<16xf32>
          %mul3A_555 = arith.mulf %get3A_534, %bitcast_convert_type3A_516 : vector<16xf32>
          %add3A_556 = arith.addf %add3A_554, %mul3A_555 : vector<16xf32>
          %mul3A_557 = arith.mulf %get3A_542, %bitcast_convert_type3A_512 : vector<16xf32>
          %add3A_558 = arith.addf %add3A_492, %mul3A_557 : vector<16xf32>
          %mul3A_559 = arith.mulf %get3A_552, %bitcast_convert_type3A_516 : vector<16xf32>
          %add3A_560 = arith.addf %add3A_558, %mul3A_559 : vector<16xf32>
          %mul3A_561 = arith.mulf %get3A_524, %get3A_524 : vector<16xf32>
          %add3A_562 = arith.addf %add3A_496, %mul3A_561 : vector<16xf32>
          %mul3A_563 = arith.mulf %get3A_534, %get3A_534 : vector<16xf32>
          %add3A_564 = arith.addf %add3A_562, %mul3A_563 : vector<16xf32>
          %mul3A_565 = arith.mulf %get3A_542, %get3A_542 : vector<16xf32>
          %add3A_566 = arith.addf %add3A_500, %mul3A_565 : vector<16xf32>
          %mul3A_567 = arith.mulf %get3A_552, %get3A_552 : vector<16xf32>
          %add3A_568 = arith.addf %add3A_566, %mul3A_567 : vector<16xf32>
          scf.yield %add3A_556, %add3A_560, %add3A_564, %add3A_568 : vector<16xf32>, vector<16xf32>, vector<16xf32>, vector<16xf32>
        }
        %scan3A_101 = arith.constant 32 : i32
        %iota3A = tpu.iota {dimensions = array<i32: 0>} : vector<16xi32>
        %xor3A = arith.constant 8 : i32
        %xor3A_102 = vector.broadcast %xor3A : i32 to vector<16xi32>
        %xor3A_103 = arith.xori %iota3A, %xor3A_102 : vector<16xi32>
        %broadcast_in_dim3A_104 = vector.shape_cast %xor3A_103 : vector<16xi32> to vector<16x1xi32>
        %gather3A = vector.shape_cast %broadcast_in_dim3A_104 : vector<16x1xi32> to vector<16xi32>
        %gather3A_105 = tpu.dynamic_gather %scan3A_100#0[%gather3A] in [0] : vector<16xf32>, vector<16xi32> -> vector<16xf32>
        %add3A_106 = arith.addf %scan3A_100#0, %gather3A_105 : vector<16xf32>
        %xor3A_107 = arith.constant 4 : i32
        %xor3A_108 = vector.broadcast %xor3A_107 : i32 to vector<16xi32>
        %xor3A_109 = arith.xori %iota3A, %xor3A_108 : vector<16xi32>
        %broadcast_in_dim3A_110 = vector.shape_cast %xor3A_109 : vector<16xi32> to vector<16x1xi32>
        %gather3A_111 = vector.shape_cast %broadcast_in_dim3A_110 : vector<16x1xi32> to vector<16xi32>
        %gather3A_112 = tpu.dynamic_gather %add3A_106[%gather3A_111] in [0] : vector<16xf32>, vector<16xi32> -> vector<16xf32>
        %add3A_113 = arith.addf %add3A_106, %gather3A_112 : vector<16xf32>
        %xor3A_114 = arith.constant 2 : i32
        %xor3A_115 = vector.broadcast %xor3A_114 : i32 to vector<16xi32>
        %xor3A_116 = arith.xori %iota3A, %xor3A_115 : vector<16xi32>
        %broadcast_in_dim3A_117 = vector.shape_cast %xor3A_116 : vector<16xi32> to vector<16x1xi32>
        %gather3A_118 = vector.shape_cast %broadcast_in_dim3A_117 : vector<16x1xi32> to vector<16xi32>
        %gather3A_119 = tpu.dynamic_gather %add3A_113[%gather3A_118] in [0] : vector<16xf32>, vector<16xi32> -> vector<16xf32>
        %add3A_120 = arith.addf %add3A_113, %gather3A_119 : vector<16xf32>
        %xor3A_121 = arith.constant 1 : i32
        %xor3A_122 = vector.broadcast %xor3A_121 : i32 to vector<16xi32>
        %xor3A_123 = arith.xori %iota3A, %xor3A_122 : vector<16xi32>
        %broadcast_in_dim3A_124 = vector.shape_cast %xor3A_123 : vector<16xi32> to vector<16x1xi32>
        %gather3A_125 = vector.shape_cast %broadcast_in_dim3A_124 : vector<16x1xi32> to vector<16xi32>
        %gather3A_126 = tpu.dynamic_gather %add3A_120[%gather3A_125] in [0] : vector<16xf32>, vector<16xi32> -> vector<16xf32>
        %add3A_127 = arith.addf %add3A_120, %gather3A_126 : vector<16xf32>
        %iota3A_128 = tpu.iota {dimensions = array<i32: 0>} : vector<16xi32>
        %xor3A_129 = arith.constant 8 : i32
        %xor3A_130 = vector.broadcast %xor3A_129 : i32 to vector<16xi32>
        %xor3A_131 = arith.xori %iota3A_128, %xor3A_130 : vector<16xi32>
        %broadcast_in_dim3A_132 = vector.shape_cast %xor3A_131 : vector<16xi32> to vector<16x1xi32>
        %gather3A_133 = vector.shape_cast %broadcast_in_dim3A_132 : vector<16x1xi32> to vector<16xi32>
        %gather3A_134 = tpu.dynamic_gather %scan3A_100#1[%gather3A_133] in [0] : vector<16xf32>, vector<16xi32> -> vector<16xf32>
        %add3A_135 = arith.addf %scan3A_100#1, %gather3A_134 : vector<16xf32>
        %xor3A_136 = arith.constant 4 : i32
        %xor3A_137 = vector.broadcast %xor3A_136 : i32 to vector<16xi32>
        %xor3A_138 = arith.xori %iota3A_128, %xor3A_137 : vector<16xi32>
        %broadcast_in_dim3A_139 = vector.shape_cast %xor3A_138 : vector<16xi32> to vector<16x1xi32>
        %gather3A_140 = vector.shape_cast %broadcast_in_dim3A_139 : vector<16x1xi32> to vector<16xi32>
        %gather3A_141 = tpu.dynamic_gather %add3A_135[%gather3A_140] in [0] : vector<16xf32>, vector<16xi32> -> vector<16xf32>
        %add3A_142 = arith.addf %add3A_135, %gather3A_141 : vector<16xf32>
        %xor3A_143 = arith.constant 2 : i32
        %xor3A_144 = vector.broadcast %xor3A_143 : i32 to vector<16xi32>
        %xor3A_145 = arith.xori %iota3A_128, %xor3A_144 : vector<16xi32>
        %broadcast_in_dim3A_146 = vector.shape_cast %xor3A_145 : vector<16xi32> to vector<16x1xi32>
        %gather3A_147 = vector.shape_cast %broadcast_in_dim3A_146 : vector<16x1xi32> to vector<16xi32>
        %gather3A_148 = tpu.dynamic_gather %add3A_142[%gather3A_147] in [0] : vector<16xf32>, vector<16xi32> -> vector<16xf32>
        %add3A_149 = arith.addf %add3A_142, %gather3A_148 : vector<16xf32>
        %xor3A_150 = arith.constant 1 : i32
        %xor3A_151 = vector.broadcast %xor3A_150 : i32 to vector<16xi32>
        %xor3A_152 = arith.xori %iota3A_128, %xor3A_151 : vector<16xi32>
        %broadcast_in_dim3A_153 = vector.shape_cast %xor3A_152 : vector<16xi32> to vector<16x1xi32>
        %gather3A_154 = vector.shape_cast %broadcast_in_dim3A_153 : vector<16x1xi32> to vector<16xi32>
        %gather3A_155 = tpu.dynamic_gather %add3A_149[%gather3A_154] in [0] : vector<16xf32>, vector<16xi32> -> vector<16xf32>
        %add3A_156 = arith.addf %add3A_149, %gather3A_155 : vector<16xf32>
        %iota3A_157 = tpu.iota {dimensions = array<i32: 0>} : vector<16xi32>
        %xor3A_158 = arith.constant 8 : i32
        %xor3A_159 = vector.broadcast %xor3A_158 : i32 to vector<16xi32>
        %xor3A_160 = arith.xori %iota3A_157, %xor3A_159 : vector<16xi32>
        %broadcast_in_dim3A_161 = vector.shape_cast %xor3A_160 : vector<16xi32> to vector<16x1xi32>
        %gather3A_162 = vector.shape_cast %broadcast_in_dim3A_161 : vector<16x1xi32> to vector<16xi32>
        %gather3A_163 = tpu.dynamic_gather %scan3A_100#2[%gather3A_162] in [0] : vector<16xf32>, vector<16xi32> -> vector<16xf32>
        %add3A_164 = arith.addf %scan3A_100#2, %gather3A_163 : vector<16xf32>
        %xor3A_165 = arith.constant 4 : i32
        %xor3A_166 = vector.broadcast %xor3A_165 : i32 to vector<16xi32>
        %xor3A_167 = arith.xori %iota3A_157, %xor3A_166 : vector<16xi32>
        %broadcast_in_dim3A_168 = vector.shape_cast %xor3A_167 : vector<16xi32> to vector<16x1xi32>
        %gather3A_169 = vector.shape_cast %broadcast_in_dim3A_168 : vector<16x1xi32> to vector<16xi32>
        %gather3A_170 = tpu.dynamic_gather %add3A_164[%gather3A_169] in [0] : vector<16xf32>, vector<16xi32> -> vector<16xf32>
        %add3A_171 = arith.addf %add3A_164, %gather3A_170 : vector<16xf32>
        %xor3A_172 = arith.constant 2 : i32
        %xor3A_173 = vector.broadcast %xor3A_172 : i32 to vector<16xi32>
        %xor3A_174 = arith.xori %iota3A_157, %xor3A_173 : vector<16xi32>
        %broadcast_in_dim3A_175 = vector.shape_cast %xor3A_174 : vector<16xi32> to vector<16x1xi32>
        %gather3A_176 = vector.shape_cast %broadcast_in_dim3A_175 : vector<16x1xi32> to vector<16xi32>
        %gather3A_177 = tpu.dynamic_gather %add3A_171[%gather3A_176] in [0] : vector<16xf32>, vector<16xi32> -> vector<16xf32>
        %add3A_178 = arith.addf %add3A_171, %gather3A_177 : vector<16xf32>
        %xor3A_179 = arith.constant 1 : i32
        %xor3A_180 = vector.broadcast %xor3A_179 : i32 to vector<16xi32>
        %xor3A_181 = arith.xori %iota3A_157, %xor3A_180 : vector<16xi32>
        %broadcast_in_dim3A_182 = vector.shape_cast %xor3A_181 : vector<16xi32> to vector<16x1xi32>
        %gather3A_183 = vector.shape_cast %broadcast_in_dim3A_182 : vector<16x1xi32> to vector<16xi32>
        %gather3A_184 = tpu.dynamic_gather %add3A_178[%gather3A_183] in [0] : vector<16xf32>, vector<16xi32> -> vector<16xf32>
        %add3A_185 = arith.addf %add3A_178, %gather3A_184 : vector<16xf32>
        %max3A = arith.constant 1.000000e-24 : f32
        %max3A_186 = vector.broadcast %max3A : f32 to vector<16xf32>
        %max3A_187 = arith.maximumf %add3A_185, %max3A_186 : vector<16xf32>
        %iota3A_188 = tpu.iota {dimensions = array<i32: 0>} : vector<16xi32>
        %xor3A_189 = arith.constant 8 : i32
        %xor3A_190 = vector.broadcast %xor3A_189 : i32 to vector<16xi32>
        %xor3A_191 = arith.xori %iota3A_188, %xor3A_190 : vector<16xi32>
        %broadcast_in_dim3A_192 = vector.shape_cast %xor3A_191 : vector<16xi32> to vector<16x1xi32>
        %gather3A_193 = vector.shape_cast %broadcast_in_dim3A_192 : vector<16x1xi32> to vector<16xi32>
        %gather3A_194 = tpu.dynamic_gather %scan3A_100#3[%gather3A_193] in [0] : vector<16xf32>, vector<16xi32> -> vector<16xf32>
        %add3A_195 = arith.addf %scan3A_100#3, %gather3A_194 : vector<16xf32>
        %xor3A_196 = arith.constant 4 : i32
        %xor3A_197 = vector.broadcast %xor3A_196 : i32 to vector<16xi32>
        %xor3A_198 = arith.xori %iota3A_188, %xor3A_197 : vector<16xi32>
        %broadcast_in_dim3A_199 = vector.shape_cast %xor3A_198 : vector<16xi32> to vector<16x1xi32>
        %gather3A_200 = vector.shape_cast %broadcast_in_dim3A_199 : vector<16x1xi32> to vector<16xi32>
        %gather3A_201 = tpu.dynamic_gather %add3A_195[%gather3A_200] in [0] : vector<16xf32>, vector<16xi32> -> vector<16xf32>
        %add3A_202 = arith.addf %add3A_195, %gather3A_201 : vector<16xf32>
        %xor3A_203 = arith.constant 2 : i32
        %xor3A_204 = vector.broadcast %xor3A_203 : i32 to vector<16xi32>
        %xor3A_205 = arith.xori %iota3A_188, %xor3A_204 : vector<16xi32>
        %broadcast_in_dim3A_206 = vector.shape_cast %xor3A_205 : vector<16xi32> to vector<16x1xi32>
        %gather3A_207 = vector.shape_cast %broadcast_in_dim3A_206 : vector<16x1xi32> to vector<16xi32>
        %gather3A_208 = tpu.dynamic_gather %add3A_202[%gather3A_207] in [0] : vector<16xf32>, vector<16xi32> -> vector<16xf32>
        %add3A_209 = arith.addf %add3A_202, %gather3A_208 : vector<16xf32>
        %xor3A_210 = arith.constant 1 : i32
        %xor3A_211 = vector.broadcast %xor3A_210 : i32 to vector<16xi32>
        %xor3A_212 = arith.xori %iota3A_188, %xor3A_211 : vector<16xi32>
        %broadcast_in_dim3A_213 = vector.shape_cast %xor3A_212 : vector<16xi32> to vector<16x1xi32>
        %gather3A_214 = vector.shape_cast %broadcast_in_dim3A_213 : vector<16x1xi32> to vector<16xi32>
        %gather3A_215 = tpu.dynamic_gather %add3A_209[%gather3A_214] in [0] : vector<16xf32>, vector<16xi32> -> vector<16xf32>
        %add3A_216 = arith.addf %add3A_209, %gather3A_215 : vector<16xf32>
        %max3A_217 = arith.constant 1.000000e-24 : f32
        %max3A_218 = vector.broadcast %max3A_217 : f32 to vector<16xf32>
        %max3A_219 = arith.maximumf %add3A_216, %max3A_218 : vector<16xf32>
        %bitcast_convert_type3A = tpu.bitcast %max3A_187 : vector<16xf32> -> vector<16xi32>
        %shift_right_logical3A = arith.constant 1 : i32
        %shift_right_logical3A_220 = vector.broadcast %shift_right_logical3A : i32 to vector<16xi32>
        %shift_right_logical3A_221 = arith.shrui %bitcast_convert_type3A, %shift_right_logical3A_220 : vector<16xi32>
        %sub3A = arith.constant 1597463007 : i32
        %sub3A_222 = vector.broadcast %sub3A : i32 to vector<16xi32>
        %sub3A_223 = arith.subi %sub3A_222, %shift_right_logical3A_221 : vector<16xi32>
        %bitcast_convert_type3A_224 = tpu.bitcast %sub3A_223 : vector<16xi32> -> vector<16xf32>
        %mul3A_225 = arith.constant 5.000000e-01 : f32
        %mul3A_226 = vector.broadcast %mul3A_225 : f32 to vector<16xf32>
        %mul3A_227 = arith.mulf %mul3A_226, %max3A_187 : vector<16xf32>
        %mul3A_228 = arith.mulf %mul3A_227, %bitcast_convert_type3A_224 : vector<16xf32>
        %mul3A_229 = arith.mulf %mul3A_228, %bitcast_convert_type3A_224 : vector<16xf32>
        %sub3A_230 = arith.constant 1.500000e+00 : f32
        %sub3A_231 = vector.broadcast %sub3A_230 : f32 to vector<16xf32>
        %sub3A_232 = arith.subf %sub3A_231, %mul3A_229 : vector<16xf32>
        %mul3A_233 = arith.mulf %bitcast_convert_type3A_224, %sub3A_232 : vector<16xf32>
        %mul3A_234 = arith.constant 5.000000e-01 : f32
        %mul3A_235 = vector.broadcast %mul3A_234 : f32 to vector<16xf32>
        %mul3A_236 = arith.mulf %mul3A_235, %max3A_187 : vector<16xf32>
        %mul3A_237 = arith.mulf %mul3A_236, %mul3A_233 : vector<16xf32>
        %mul3A_238 = arith.mulf %mul3A_237, %mul3A_233 : vector<16xf32>
        %sub3A_239 = arith.constant 1.500000e+00 : f32
        %sub3A_240 = vector.broadcast %sub3A_239 : f32 to vector<16xf32>
        %sub3A_241 = arith.subf %sub3A_240, %mul3A_238 : vector<16xf32>
        %mul3A_242 = arith.mulf %mul3A_233, %sub3A_241 : vector<16xf32>
        %mul3A_243 = arith.constant 5.000000e-01 : f32
        %mul3A_244 = vector.broadcast %mul3A_243 : f32 to vector<16xf32>
        %mul3A_245 = arith.mulf %mul3A_244, %max3A_187 : vector<16xf32>
        %mul3A_246 = arith.mulf %mul3A_245, %mul3A_242 : vector<16xf32>
        %mul3A_247 = arith.mulf %mul3A_246, %mul3A_242 : vector<16xf32>
        %sub3A_248 = arith.constant 1.500000e+00 : f32
        %sub3A_249 = vector.broadcast %sub3A_248 : f32 to vector<16xf32>
        %sub3A_250 = arith.subf %sub3A_249, %mul3A_247 : vector<16xf32>
        %mul3A_251 = arith.mulf %mul3A_242, %sub3A_250 : vector<16xf32>
        %mul3A_252 = arith.mulf %add3A_127, %mul3A_251 : vector<16xf32>
        %bitcast_convert_type3A_253 = tpu.bitcast %max3A_219 : vector<16xf32> -> vector<16xi32>
        %shift_right_logical3A_254 = arith.constant 1 : i32
        %shift_right_logical3A_255 = vector.broadcast %shift_right_logical3A_254 : i32 to vector<16xi32>
        %shift_right_logical3A_256 = arith.shrui %bitcast_convert_type3A_253, %shift_right_logical3A_255 : vector<16xi32>
        %sub3A_257 = arith.constant 1597463007 : i32
        %sub3A_258 = vector.broadcast %sub3A_257 : i32 to vector<16xi32>
        %sub3A_259 = arith.subi %sub3A_258, %shift_right_logical3A_256 : vector<16xi32>
        %bitcast_convert_type3A_260 = tpu.bitcast %sub3A_259 : vector<16xi32> -> vector<16xf32>
        %mul3A_261 = arith.constant 5.000000e-01 : f32
        %mul3A_262 = vector.broadcast %mul3A_261 : f32 to vector<16xf32>
        %mul3A_263 = arith.mulf %mul3A_262, %max3A_219 : vector<16xf32>
        %mul3A_264 = arith.mulf %mul3A_263, %bitcast_convert_type3A_260 : vector<16xf32>
        %mul3A_265 = arith.mulf %mul3A_264, %bitcast_convert_type3A_260 : vector<16xf32>
        %sub3A_266 = arith.constant 1.500000e+00 : f32
        %sub3A_267 = vector.broadcast %sub3A_266 : f32 to vector<16xf32>
        %sub3A_268 = arith.subf %sub3A_267, %mul3A_265 : vector<16xf32>
        %mul3A_269 = arith.mulf %bitcast_convert_type3A_260, %sub3A_268 : vector<16xf32>
        %mul3A_270 = arith.constant 5.000000e-01 : f32
        %mul3A_271 = vector.broadcast %mul3A_270 : f32 to vector<16xf32>
        %mul3A_272 = arith.mulf %mul3A_271, %max3A_219 : vector<16xf32>
        %mul3A_273 = arith.mulf %mul3A_272, %mul3A_269 : vector<16xf32>
        %mul3A_274 = arith.mulf %mul3A_273, %mul3A_269 : vector<16xf32>
        %sub3A_275 = arith.constant 1.500000e+00 : f32
        %sub3A_276 = vector.broadcast %sub3A_275 : f32 to vector<16xf32>
        %sub3A_277 = arith.subf %sub3A_276, %mul3A_274 : vector<16xf32>
        %mul3A_278 = arith.mulf %mul3A_269, %sub3A_277 : vector<16xf32>
        %mul3A_279 = arith.constant 5.000000e-01 : f32
        %mul3A_280 = vector.broadcast %mul3A_279 : f32 to vector<16xf32>
        %mul3A_281 = arith.mulf %mul3A_280, %max3A_219 : vector<16xf32>
        %mul3A_282 = arith.mulf %mul3A_281, %mul3A_278 : vector<16xf32>
        %mul3A_283 = arith.mulf %mul3A_282, %mul3A_278 : vector<16xf32>
        %sub3A_284 = arith.constant 1.500000e+00 : f32
        %sub3A_285 = vector.broadcast %sub3A_284 : f32 to vector<16xf32>
        %sub3A_286 = arith.subf %sub3A_285, %mul3A_283 : vector<16xf32>
        %mul3A_287 = arith.mulf %mul3A_278, %sub3A_286 : vector<16xf32>
        %mul3A_288 = arith.mulf %add3A_156, %mul3A_287 : vector<16xf32>
        %add3A_289 = arith.addf %mul3A_252, %mul3A_288 : vector<16xf32>
        %mul3A_290 = arith.constant 5.000000e-01 : f32
        %mul3A_291 = vector.broadcast %mul3A_290 : f32 to vector<16xf32>
        %mul3A_292 = arith.mulf %mul3A_291, %add3A_289 : vector<16xf32>
        %sub3A_293 = arith.constant 1.000000e+00 : f32
        %sub3A_294 = vector.broadcast %sub3A_293 : f32 to vector<16xf32>
        %sub3A_295 = arith.subf %sub3A_294, %mul3A_292 : vector<16xf32>
        %add3A_296 = arith.addf %scan3A_93, %sub3A_295 : vector<16xf32>
        scf.yield %add3A_296 : vector<16xf32>
      }
      %scan3A_91 = arith.constant 16 : i32
      scf.yield %scan3A_90 : vector<16xf32>
    }
    %scan3A_22 = arith.constant 7 : i32
    %swap3A = arith.constant 0 : index
    %swap3A_23 = tpu.vector_load %arg14[%swap3A] {strides = array<i32>} : memref<16xf32, #tpu.memory_space<vmem>>, vector<16xf32>,
    %swap3A_24 = vector.shape_cast %swap3A_23 : vector<16xf32> to vector<16xf32>
    %swap3A_25 = vector.shape_cast %scan3A_21 : vector<16xf32> to vector<16xf32>
    tpu.vector_store %arg14[%swap3A], %swap3A_25 {strides = array<i32>} : memref<16xf32, #tpu.memory_space<vmem>>, vector<16xf32>,
    "tpu.region"() ({
      %run_scoped3A = tpu.sem_alloc : memref<!tpu.dma_semaphore, #tpu.memory_space<semaphore_mem>>
      %dma_start3A_26 = arith.constant 0 : i32
      %dma_start3A_27 = tpu.memref_slice %arg6[%add3A, %dma_start3A_26] : memref<32x16xf32, #tpu.memory_space<hbm>> -> memref<1x16xf32, #tpu.memory_space<hbm>>
      %dma_start3A_28 = tpu.memref_squeeze %dma_start3A_27 : memref<1x16xf32, #tpu.memory_space<hbm>> -> memref<16xf32, #tpu.memory_space<hbm>>
      %dma_start3A_29 = arith.constant 0 : i32
      %dma_start3A_30 = tpu.memref_slice %arg6[%add3A, %dma_start3A_29] : memref<32x16xf32, #tpu.memory_space<hbm>> -> memref<1x16xf32, #tpu.memory_space<hbm>>
      %dma_start3A_31 = tpu.memref_squeeze %dma_start3A_30 : memref<1x16xf32, #tpu.memory_space<hbm>> -> memref<16xf32, #tpu.memory_space<hbm>>
      tpu.enqueue_dma source(%arg14 : memref<16xf32, #tpu.memory_space<vmem>>) target(%dma_start3A_31 : memref<16xf32, #tpu.memory_space<hbm>>) target_semaphore(%run_scoped3A : memref<!tpu.dma_semaphore, #tpu.memory_space<semaphore_mem>>)
      %dma_wait3A = arith.constant 0 : i32
      %dma_wait3A_32 = tpu.memref_slice %arg6[%add3A, %dma_wait3A] : memref<32x16xf32, #tpu.memory_space<hbm>> -> memref<1x16xf32, #tpu.memory_space<hbm>>
      %dma_wait3A_33 = tpu.memref_squeeze %dma_wait3A_32 : memref<1x16xf32, #tpu.memory_space<hbm>> -> memref<16xf32, #tpu.memory_space<hbm>>
      %dma_wait3A_34 = arith.constant 0 : i32
      %dma_wait3A_35 = tpu.memref_slice %arg6[%add3A, %dma_wait3A_34] : memref<32x16xf32, #tpu.memory_space<hbm>> -> memref<1x16xf32, #tpu.memory_space<hbm>>
      %dma_wait3A_36 = tpu.memref_squeeze %dma_wait3A_35 : memref<1x16xf32, #tpu.memory_space<hbm>> -> memref<16xf32, #tpu.memory_space<hbm>>
      tpu.wait_dma2 semaphore(%run_scoped3A : memref<!tpu.dma_semaphore, #tpu.memory_space<semaphore_mem>>) src(%arg14 : memref<16xf32, #tpu.memory_space<vmem>>) dst(%dma_wait3A_36 : memref<16xf32, #tpu.memory_space<hbm>>)
      tpu.yield
    }) : () -> ()
    return
  }
}

module attributes {stable_mosaic.version = 14 : i64} {
  func.func @_tc_body(%arg0: i32, %arg1: memref<512xi32, #tpu.memory_space<vmem>>, %arg2: memref<512x1024xf32, #tpu.memory_space<vmem>>, %arg3: memref<512x1024xf32, #tpu.memory_space<vmem>>, %arg4: memref<1000x1024xf32, #tpu.memory_space<vmem>>, %arg5: memref<1x1xf32, #tpu.memory_space<vmem>>, %arg6: memref<1000x1024xbf16, #tpu.memory_space<vmem>>) attributes {dimension_semantics = [#tpu.dimension_semantics<arbitrary>], iteration_bounds = array<i64: 18>, scalar_prefetch = 0 : i64, scratch_operands = 1 : i64, tpu.core_type = #tpu.core_type<tc>, window_params = [{transform_indices = @transform_0, window_bounds = array<i64: 512>}, {transform_indices = @transform_1, window_bounds = array<i64: 512, 1024>}, {transform_indices = @transform_2, window_bounds = array<i64: 512, 1024>}, {pipeline_mode = #tpu.pipeline_mode<synchronous>, transform_indices = @transform_3, window_bounds = array<i64: 1000, 1024>}, {pipeline_mode = #tpu.pipeline_mode<synchronous>, transform_indices = @transform_4, window_bounds = array<i64: 1, 1>}]} {
    %eq3A = arith.constant 0 : i32
    %eq3A_0 = arith.cmpi eq, %arg0, %eq3A : i32
    %convert_element_type3A = arith.extui %eq3A_0 : i1 to i32
    %cond3A = arith.constant 0 : i32
    %cond3A_1 = arith.cmpi ne, %convert_element_type3A, %cond3A : i32
    scf.if %cond3A_1 {
      %get3A_56 = arith.constant 0 : index
      %get3A_57 = arith.constant 0 : index
      %get3A_58 = vector.load %arg4[%get3A_56, %get3A_57] : memref<1000x1024xf32, #tpu.memory_space<vmem>>, vector<1000x1024xf32>
      %convert_element_type3A_59 = arith.truncf %get3A_58 : vector<1000x1024xf32> to vector<1000x1024xbf16>
      %swap3A_60 = arith.constant 0 : index
      %swap3A_61 = arith.constant 0 : index
      %swap3A_62 = vector.load %arg6[%swap3A_60, %swap3A_61] : memref<1000x1024xbf16, #tpu.memory_space<vmem>>, vector<1000x1024xbf16>
      tpu.vector_store %arg6[%swap3A_60, %swap3A_61], %convert_element_type3A_59 {strides = array<i32>} : memref<1000x1024xbf16, #tpu.memory_space<vmem>>, vector<1000x1024xbf16>,
    } else {
    }
    %get3A = arith.constant 0 : index
    %get3A_2 = arith.constant 0 : index
    %get3A_3 = vector.load %arg2[%get3A, %get3A_2] : memref<512x1024xf32, #tpu.memory_space<vmem>>, vector<512x1024xf32>
    %get3A_4 = arith.constant 0 : index
    %get3A_5 = arith.constant 0 : index
    %get3A_6 = vector.load %arg3[%get3A_4, %get3A_5] : memref<512x1024xf32, #tpu.memory_space<vmem>>, vector<512x1024xf32>
    %get3A_7 = arith.constant 0 : index
    %get3A_8 = vector.load %arg1[%get3A_7] : memref<512xi32, #tpu.memory_space<vmem>>, vector<512xi32>
    %mul3A = arith.mulf %get3A_3, %get3A_3 : vector<512x1024xf32>
    %reduce_sum3A = arith.constant dense<0.000000e+00> : vector<512xf32>
    %reduce_sum3A_9 = vector.multi_reduction <add>, %mul3A, %reduce_sum3A [1] : vector<512x1024xf32> to vector<512xf32>
    %broadcast_in_dim3A = vector.shape_cast %reduce_sum3A_9 : vector<512xf32> to vector<512x1xf32>
    %mul3A_10 = arith.mulf %get3A_6, %get3A_6 : vector<512x1024xf32>
    %reduce_sum3A_11 = arith.constant dense<0.000000e+00> : vector<512xf32>
    %reduce_sum3A_12 = vector.multi_reduction <add>, %mul3A_10, %reduce_sum3A_11 [1] : vector<512x1024xf32> to vector<512xf32>
    %broadcast_in_dim3A_13 = vector.shape_cast %reduce_sum3A_12 : vector<512xf32> to vector<512x1xf32>
    %sqrt3A = math.sqrt %broadcast_in_dim3A : vector<512x1xf32>
    %max3A = arith.constant 9.99999996E-13 : f32
    %max3A_14 = vector.broadcast %max3A : f32 to vector<512x1xf32>
    %max3A_15 = arith.maximumf %sqrt3A, %max3A_14 : vector<512x1xf32>
    %div3A = arith.constant 1.000000e+00 : f32
    %div3A_16 = vector.broadcast %div3A : f32 to vector<512x1xf32>
    %div3A_17 = arith.divf %div3A_16, %max3A_15 : vector<512x1xf32>
    %sqrt3A_18 = math.sqrt %broadcast_in_dim3A_13 : vector<512x1xf32>
    %max3A_19 = arith.constant 9.99999996E-13 : f32
    %max3A_20 = vector.broadcast %max3A_19 : f32 to vector<512x1xf32>
    %max3A_21 = arith.maximumf %sqrt3A_18, %max3A_20 : vector<512x1xf32>
    %div3A_22 = arith.constant 1.000000e+00 : f32
    %div3A_23 = vector.broadcast %div3A_22 : f32 to vector<512x1xf32>
    %div3A_24 = arith.divf %div3A_23, %max3A_21 : vector<512x1xf32>
    %mul3A_25 = vector.broadcast %div3A_17 : vector<512x1xf32> to vector<512x1024xf32>
    %mul3A_26 = arith.mulf %get3A_3, %mul3A_25 : vector<512x1024xf32>
    %mul3A_27 = vector.broadcast %div3A_24 : vector<512x1xf32> to vector<512x1024xf32>
    %mul3A_28 = arith.mulf %get3A_6, %mul3A_27 : vector<512x1024xf32>
    %add3A = arith.addf %mul3A_26, %mul3A_28 : vector<512x1024xf32>
    %broadcast_in_dim3A_29 = vector.shape_cast %get3A_8 : vector<512xi32> to vector<512x1xi32>
    %iota3A = tpu.iota {dimensions = array<i32: 1>} : vector<512x1000xi32>
    %eq3A_30 = vector.broadcast %broadcast_in_dim3A_29 : vector<512x1xi32> to vector<512x1000xi32>
    %eq3A_31 = arith.cmpi eq, %eq3A_30, %iota3A : vector<512x1000xi32>
    %convert_element_type3A_32 = arith.extui %eq3A_31 : vector<512x1000xi1> to vector<512x1000xi32>
    %convert_element_type3A_33 = arith.sitofp %convert_element_type3A_32 : vector<512x1000xi32> to vector<512x1000xf32>
    %convert_element_type3A_34 = arith.truncf %convert_element_type3A_33 : vector<512x1000xf32> to vector<512x1000xbf16>
    %get3A_35 = arith.constant 0 : index
    %get3A_36 = arith.constant 0 : index
    %get3A_37 = vector.load %arg6[%get3A_35, %get3A_36] : memref<1000x1024xbf16, #tpu.memory_space<vmem>>, vector<1000x1024xbf16>
    %dot_general3A = arith.constant dense<0.000000e+00> : vector<512x1024xf32>
    %dot_general3A_38 = tpu.matmul %convert_element_type3A_34, %get3A_37, %dot_general3A {dimension_numbers = #tpu.dot_dimension_numbers<[1], [0], [0], [1], [0, 0, 1, 1], [], []>, transpose_lhs_hint = false} : vector<512x1000xbf16>, vector<1000x1024xbf16>, vector<512x1024xf32> -> vector<512x1024xf32>
    %mul3A_39 = arith.mulf %add3A, %dot_general3A_38 : vector<512x1024xf32>
    %reduce_sum3A_40 = vector.shape_cast %mul3A_39 : vector<512x1024xf32> to vector<1x512x1024xf32>
    %reduce_sum3A_41 = arith.constant dense<0.000000e+00> : vector<1xf32>
    %reduce_sum3A_42 = vector.multi_reduction <add>, %reduce_sum3A_40, %reduce_sum3A_41 [1, 2] : vector<1x512x1024xf32> to vector<1xf32>
    %reduce_sum3A_43 = vector.shape_cast %reduce_sum3A_42 : vector<1xf32> to vector<1x1x1xf32>
    %reduce_sum3A_44 = vector.extract %reduce_sum3A_43[0, 0, 0] : f32 from vector<1x1x1xf32>
    %reshape3A = vector.broadcast %reduce_sum3A_44 : f32 to vector<1x1xf32>
    %eq3A_45 = arith.constant 0 : i32
    %eq3A_46 = arith.cmpi eq, %arg0, %eq3A_45 : i32
    %convert_element_type3A_47 = arith.extui %eq3A_46 : i1 to i32
    %cond3A_48 = arith.constant 0 : i32
    %cond3A_49 = arith.cmpi ne, %convert_element_type3A_47, %cond3A_48 : i32
    scf.if %cond3A_49 {
      %broadcast_in_dim3A_56 = arith.constant 0.000000e+00 : f32
      %broadcast_in_dim3A_57 = vector.broadcast %broadcast_in_dim3A_56 : f32 to vector<1x1xf32>
      %swap3A_58 = arith.constant 0 : index
      %swap3A_59 = arith.constant 0 : index
      %swap3A_60 = vector.load %arg5[%swap3A_58, %swap3A_59] : memref<1x1xf32, #tpu.memory_space<vmem>>, vector<1x1xf32>
      tpu.vector_store %arg5[%swap3A_58, %swap3A_59], %broadcast_in_dim3A_57 {strides = array<i32>} : memref<1x1xf32, #tpu.memory_space<vmem>>, vector<1x1xf32>,
    } else {
    }
    %get3A_50 = arith.constant 0 : index
    %get3A_51 = arith.constant 0 : index
    %get3A_52 = vector.load %arg5[%get3A_50, %get3A_51] : memref<1x1xf32, #tpu.memory_space<vmem>>, vector<1x1xf32>
    %add3A_53 = arith.addf %get3A_52, %reshape3A : vector<1x1xf32>
    %swap3A = arith.constant 0 : index
    %swap3A_54 = arith.constant 0 : index
    %swap3A_55 = vector.load %arg5[%swap3A, %swap3A_54] : memref<1x1xf32, #tpu.memory_space<vmem>>, vector<1x1xf32>
    tpu.vector_store %arg5[%swap3A, %swap3A_54], %add3A_53 {strides = array<i32>} : memref<1x1xf32, #tpu.memory_space<vmem>>, vector<1x1xf32>,
    return
  }
  func.func @transform_0(%arg0: i32) -> i32 {
    %add3A = arith.constant 14 : i32
    %add3A_0 = arith.addi %arg0, %add3A : i32
    %c0_i32 = arith.constant 0 : i32
    return %add3A_0 : i32
  }
  func.func @transform_1(%arg0: i32) -> (i32, i32) {
    %add3A = arith.constant 14 : i32
    %add3A_0 = arith.addi %arg0, %add3A : i32
    %c0_i32 = arith.constant 0 : i32
    %c0_i32_1 = arith.constant 0 : i32
    return %add3A_0, %c0_i32 : i32, i32
  }
  func.func @transform_2(%arg0: i32) -> (i32, i32) {
    %add3A = arith.constant 14 : i32
    %add3A_0 = arith.addi %arg0, %add3A : i32
    %c0_i32 = arith.constant 0 : i32
    %c0_i32_1 = arith.constant 0 : i32
    return %add3A_0, %c0_i32 : i32, i32
  }
  func.func @transform_3(%arg0: i32) -> (i32, i32) {
    %c0_i32 = arith.constant 0 : i32
    %c0_i32_0 = arith.constant 0 : i32
    %c0_i32_1 = arith.constant 0 : i32
    return %c0_i32, %c0_i32_0 : i32, i32
  }
  func.func @transform_4(%arg0: i32) -> (i32, i32) {
    %c0_i32 = arith.constant 0 : i32
    %c0_i32_0 = arith.constant 0 : i32
    %c0_i32_1 = arith.constant 0 : i32
    return %c0_i32, %c0_i32_0 : i32, i32
  }
}

</mosaic_0001>

<sc_bundles>
// kernel: kernel.4.cloned.1.call-start
scs
__scs_entry_jumppad:
0x0: {  	(pc) =	sbr.rel $0x88, $3  }
0x1: {  	(tag) =	ssettag $0x0;
	lr =	simm.s32 $0x1  }
0x2: {  	[smem:$0x3F9D] =	sst lr;
	_ =	strace $0xD0000000  }
0x3: {  	_ = 	snop  }
0x4: {  	_ = 	snop  }
0x5: {  	_ = 	snop  }
0x6: {  	_ = 	snop  }
0x7: {  	_ = 	snop  }
__scs_overlays_trampoline_lowered:
0x8: {  	[smem:$0x3FAC] =	sst s0  }
0x9: {  	[smem:$0x3FAD] =	sst s1  }
0xa: {  	[smem:$0x3FAE] =	sst s2  }
0xb: {  	[smem:$0x3FAF] =	sst s3  }
0xc: {  	[smem:$0x3FB0] =	sst s4  }
0xd: {  	[smem:$0x3FB1] =	sst s5  }
0xe: {  	[smem:$0x3FB2] =	sst s6  }
0xf: {  	[smem:$0x3FB3] =	sst s7  }
0x10: {  	[smem:$0x3FB4] =	sst s8  }
0x11: {  	[smem:$0x3FB5] =	sst s9;
	s0 =	simm.s32 @!p0 $0x0  }
0x12: {  	s1 =	sld [smem:$0x3F9B];
	s0 =	simm.s32 @p0 $0x1  }
0x13: {  	[smem:$0x3FB6] =	sst s0;
	s0 =	simm.s32 @!p1 $0x0  }
0x14: {  	s2 =	sld [smem:$0x3F9A];
	s0 =	simm.s32 @p1 $0x1  }
0x15: {  	[smem:$0x3FB7] =	sst s0;
	s0 =	simm.s32 @!p2 $0x0  }
0x16: {  	s3 =	sld [smem:$0x3FDB];
	s0 =	simm.s32 @p2 $0x1  }
0x17: {  	s4 =	simm.s32 $0x1BF5;
	[smem:$0x3FB9] =	sst s0  }
0x18: {  	s0 =	sld [smem:$0x3F9C];
	_ =	swait.ge [sflag:s4], $0x0  }
0x19: {  	s7 =	sld [smem:$0x3F9D]  }
0x1a: {  	s8 =	sadd.s32 $0xFFFFE003, lr  }
0x1b: {  	s9 =	sadd.s32 $0xFFFFFEF7, lr;
	s5 =	simm.s32 $0xFFFFFFFF;
	p2 =	slt.u32 s8, $0xFFFFF086  }
0x1c: {  	p1 =	slt.u32 s9, $0xF7A;
	s5 =	simm.s32 @!p2 $0x0  }
0x1d: {  	s5 =	simm.s32 @p1 $0x1;
	p0 =	seq.s32 s7, s2  }
0x1e: {  	s7 =	smul.u32 @!p0 $0xF7A, s2;
	p2 =	seq.s32 @!p0 s5, $0x0  }
0x1f: {  	s9 =	smul.u32 $0xF7A, s1;
	s8 =	simm.s32 @!p0 $0x1BF5;
	p2 =	por !p2, p0  }
0x20: {  	[sflag:s8] =	ssyncset.s32 @!p0 $0xFFFFF086;
	s6 =	sadd.s32 @!p0 s3, s7;
	s7 =	simm.s32 @!p0 $0x108  }
0x21: {  	s3 =	sadd.s32 s3, s9;
	s6 =	sadd.s32 @!p0 $0x88, s6;
	s7 =	simm.s32 @p2 $0x1082  }
0x22: {  	[simem:s7], [sflag:s8] =	dma.local @!p0 [hbm:s6], $0xF7A  }
0x23: {  	s9 =	sor.u32 $0xD0000000, s2;
	s6 =	simm.s32 $0x108;
	_ =	swait.ge @!p0 [sflag:s8], $0x0  }
0x24: {  	s3 =	sadd.s32 $0x88, s3;
	s6 =	simm.s32 @!p1 $0x1082;
	[sflag:s4] =	ssyncset.s32 $0xFFFFF086  }
0x25: {  	[simem:s6], [sflag:s4] =	dma.local [hbm:s3], $0xF7A  }
0x26: {  	[smem:$0x3F9D] =	sst s1;
	(tag) =	ssettag s2;
	_ =	strace s9  }
0x27: {  	s1 =	sld [smem:$0x3FAD]  }
0x28: {  	s2 =	sld [smem:$0x3FAE]  }
0x29: {  	s4 =	sld [smem:$0x3FB0]  }
0x2a: {  	p0 =	seq.s32 s5, $0x0;
	s5 =	sld [smem:$0x3FB1]  }
0x2b: {  	s6 =	sld [smem:$0x3FB2]  }
0x2c: {  	s7 =	sld [smem:$0x3FB3]  }
0x2d: {  	s3 =	simm.s32 $0x108;
	s8 =	sld [smem:$0x3FB4]  }
0x2e: {  	s3 =	simm.s32 @!p0 $0x1082;
	s9 =	sld [smem:$0x3FB5]  }
0x2f: {  	lr =	sadd.s32 s0, s3;
	s0 =	sld [smem:$0x3FAC]  }
0x30: {  	s3 =	sld [smem:$0x3FAF]  }
0x31: {  	[smem:$0x3FB8] =	sst s10  }
0x32: {  	s10 =	sld [smem:$0x3FB6];
	_ =	sdelay $0x3  }
0x33: {  	p0 =	seq.s32 s10, $0x1;
	s10 =	sld [smem:$0x3FB8];
	_ =	sdelay $0x3  }
0x34: {  	[smem:$0x3FB8] =	sst s10  }
0x35: {  	s10 =	sld [smem:$0x3FB7];
	_ =	sdelay $0x3  }
0x36: {  	p1 =	seq.s32 s10, $0x1;
	s10 =	sld [smem:$0x3FB8];
	_ =	sdelay $0x3  }
0x37: {  	[smem:$0x3FB8] =	sst s10  }
0x38: {  	s10 =	sld [smem:$0x3FB9]  }
0x39: {  	_ = 	snop;
	(pc) =	sbr.ind lr, $3  }
0x3a: {  	_ = 	snop  }
0x3b: {  	_ = 	snop  }
0x3c: {  	p2 =	seq.s32 s10, $0x1;
	s10 =	sld [smem:$0x3FB8]  }
0x3d: {  	_ =	shalt  }
0x3e: {  	_ =	shalt  }
0x3f: {  	_ =	shalt  }
0x40: {  	_ =	shalt  }
0x41: {  	_ =	shalt  }
0x42: {  	_ =	shalt  }
0x43: {  	_ =	shalt  }
0x44: {  	_ =	shalt  }
0x45: {  	_ =	shalt  }
0x46: {  	_ =	shalt  }
0x47: {  	_ =	shalt  }
0x48: {  	_ =	shalt  }
0x49: {  	_ =	shalt  }
0x4a: {  	_ =	shalt  }
0x4b: {  	_ =	shalt  }
0x4c: {  	_ =	shalt  }
0x4d: {  	_ =	shalt  }
0x4e: {  	_ =	shalt  }
0x4f: {  	_ =	shalt  }
0x50: {  	_ =	shalt  }
0x51: {  	_ =	shalt  }
0x52: {  	_ =	shalt  }
0x53: {  	_ =	shalt  }
0x54: {  	_ =	shalt  }
0x55: {  	_ =	shalt  }
0x56: {  	_ =	shalt  }
0x57: {  	_ =	shalt  }
0x58: {  	_ =	shalt  }
0x59: {  	_ =	shalt  }
0x5a: {  	_ =	shalt  }
0x5b: {  	_ =	shalt  }
0x5c: {  	_ =	shalt  }
0x5d: {  	_ =	shalt  }
0x5e: {  	_ =	shalt  }
0x5f: {  	_ =	shalt  }
0x60: {  	_ =	shalt  }
0x61: {  	_ =	shalt  }
0x62: {  	_ =	shalt  }
0x63: {  	_ =	shalt  }
0x64: {  	_ =	shalt  }
0x65: {  	_ =	shalt  }
0x66: {  	_ =	shalt  }
0x67: {  	_ =	shalt  }
0x68: {  	_ =	shalt  }
0x69: {  	_ =	shalt  }
0x6a: {  	_ =	shalt  }
0x6b: {  	_ =	shalt  }
0x6c: {  	_ =	shalt  }
0x6d: {  	_ =	shalt  }
0x6e: {  	_ =	shalt  }
0x6f: {  	_ =	shalt  }
0x70: {  	_ =	shalt  }
0x71: {  	_ =	shalt  }
0x72: {  	_ =	shalt  }
0x73: {  	_ =	shalt  }
0x74: {  	_ =	shalt  }
0x75: {  	_ =	shalt  }
0x76: {  	_ =	shalt  }
0x77: {  	_ =	shalt  }
0x78: {  	_ =	shalt  }
0x79: {  	_ =	shalt  }
0x7a: {  	_ =	shalt  }
0x7b: {  	_ =	shalt  }
0x7c: {  	_ =	shalt  }
0x7d: {  	_ =	shalt  }
0x7e: {  	_ =	shalt  }
0x7f: {  	_ =	shalt  }
0x80: {  	_ =	shalt  }
0x81: {  	_ =	shalt  }
0x82: {  	_ =	shalt  }
0x83: {  	_ =	shalt  }
0x84: {  	_ =	shalt  }
0x85: {  	_ =	shalt  }
0x86: {  	_ =	shalt  }
0x87: {  	_ =	shalt  }
.Lfunc_end0:
.L_simem_size_0:
called_computation_lowered:
.L_overlay_start_0:
0x88: {  	s2 =	sld [smem:$0x3FD9]  }
0x89: {  	s3 =	sld [smem:$0x3FFE];
	_ =	sdelay $0x1  }
0x8a: {  	s1 =	srdreg.scid  }
0x8b: {  	s0 =	sand.u32 $0x1, s1  }
0x8c: {  	s17 =	sshll.u32 s0, $0xA;
	s2 =	sadd.s32 s3, s2  }
0x8d: {  	s2 =	sadd.s32 s2, s17  }
0x8e: {  	[smem:$0x3FC4] =	sst s2  }
0x8f: {  	_ = 	snop  }
0x90: {  	s2 =	sld [smem:$0x3FC9]  }
0x91: {  	s18 =	sld [smem:$0x3FC8]  }
0x92: {  	s4 =	sld [smem:$0x3FC7];
	(tm) =	ssettm $0x1  }
0x93: {  	s5 =	sld [smem:$0x3FFB];
	_ =	sdelay $0x3  }
0x94: {  	_ =	strace s5  }
0x95: {  	s5 =	sld [smem:$0x3FFC];
	_ =	sdelay $0x3  }
0x96: {  	_ =	strace s5  }
0x97: {  	s5 =	sld [smem:$0x3FFD];
	_ =	sdelay $0x3  }
0x98: {  	_ =	strace s5  }
0x99: {  	_ =	strace $0x8FFFFFFF  }
0x9a: {  	s19 =	sld [smem:$0x3FDB];
	_ =	sdelay $0x1  }
0x9b: {  	s6 =	simm.s32 $_scs_section_size  }
0x9c: {  	s7 =	simm.s32 $_size__tile_overlayer_lowered;
	s8 =	simm.s32 $_tile_overlayer_lowered  }
0x9d: {  	s22 =	simm.s32 $0x1BFF;
	s21 =	sshll.u32 s8, $0x1;
	s5 =	sadd.s32 s6, s19  }
0x9e: {  	s9 =	simm.s32 $0x0;
	s20 =	sshll.u32 s7, $0x1;
	s7 =	sadd.s32 s21, s5  }
0x9f: {  	[timem:s9], [sflag:s22] =	dma.local [hbm:s7], s20  }
0xa0: {  	_ =	swait.ge [sflag:s22], s20  }
0xa1: {  	s6 =	ssub.s32 $0x0, s20;
	[sflag:s22] =	ssyncset.done $0x0  }
0xa2: {  	[sflag:s22] =	ssyncadd.s32 s6;
	_ =	sdelay $0x1  }
0xa3: {  	s23 =	simm.s32 $0x1B8B  }
0xa4: {  	_ =	swait.ge [sflag:s23], $0x1  }
0xa5: {  	[sflag:s23] =	ssyncset.done $0x0  }
0xa6: {  	s25 =	simm.s32 $0x1B8E;
	s24 =	sld [smem:$0x3FFE];
	[sflag:s23] =	ssyncadd.s32 $0xFFFFFFFF  }
0xa7: {  	s26 =	simm.s32 $execute0_lowered;
	[smem:$0x3FD2] =	sst s25  }
0xa8: {  	s7 =	sshll.u32 s26, $0x1;
	_ =	strace $0x80000046;
	[dreg:$0x1] =	wrdreg $0xFFFFFFFF  }
0xa9: {  	s28 =	simm.s32 $_size_execute0_lowered;
	s5 =	sadd.s32 s5, s7;
	[dreg:$0x0] =	wrdreg $0x0  }
0xaa: {  	s7 =	sshll.u32 s28, $0x1;
	[dreg:$0x2] =	wrdreg s5  }
0xab: {  	[dreg:$0x3] =	wrdreg s7  }
0xac: {  	[dreg:$0x4] =	wrdreg $0xC0  }
0xad: {  	_ =	task [dreg:s9], $0x5FFFF  }
0xae: {  	[dreg:$0x1] =	wrdreg $0xFFFFFFFF  }
0xaf: {  	[dreg:$0x0] =	wrdreg $0x60  }
0xb0: {  	[dreg:$0x2] =	wrdreg s2  }
0xb1: {  	[dreg:$0x3] =	wrdreg s18  }
0xb2: {  	[dreg:$0x4] =	wrdreg s4  }
0xb3: {  	[dreg:$0x5] =	wrdreg s24  }
0xb4: {  	[dreg:$0x6] =	wrdreg $0x9  }
0xb5: {  	_ =	task.clear_ibuf [dreg:s9], $0x7FFFF;
	_ =	strace $0x90000046  }
0xb6: {  	s29 =	simm.s32 $0x9;
	_ =	strace $0x80000048  }
0xb7: {  	_ =	swait.ge [sflag:s29], $0x1  }
0xb8: {  	[sflag:s29] =	ssyncadd.s32 $0xFFFFFFFF  }
0xb9: {  	_ =	strace $0x90000048  }
0xba: {  	_ =	sfence  }
0xbb: {  	s30 =	sld [smem:$0x0];
	_ =	sdelay $0x2  }
0xbc: {  	s31 =	sshll.u32 s1, $0xD;
	s1 =	sshrl.u32 s1, $0x2  }
0xbd: {  	s3 =	sand.u32 $0x4000, s31;
	s1 =	sadd.s32 s1, s30  }
0xbe: {  	s0 =	sor.u32 s3, s0;
	s1 =	sshll.u32 s1, $0x11  }
0xbf: {  	s0 =	sor.u32 s1, s0  }
0xc0: {  	s0 =	sadd.s32 $0x8F2B, s0  }
0xc1: {  	[sflag:s0] =	ssyncadd.remote.s32 $0x1  }
0xc2: {  	_ =	sfence.sel $0xFFFF  }
0xc3: {  	[dreg:$0x0] =	wrdreg $0xFFFFFFFF;
	(pc) =	sbr.abs _section_cstart, $3  }
0xc4: {  	[dreg:$0x1] =	wrdreg $0xFFFFFFFF  }
0xc5: {  	_ =	task.clear_ibuf [dreg:s9], $0x2FFFF;
	_ =	strace $0x9FFFFFFF  }
0xc6: {  	(tm) =	ssettm $0x7FFFFFFF  }
0xc7: {  	_ =	shalt  }
tec
execute0_lowered:
.L_overlay_start_1:
0x0: {  	(tag) =	ssettag $0x1  }
0x1: {  	s1 =	rddreg [dreg:$0x0]  }
0x2: {  	s2 =	rddreg [dreg:$0x1]  }
0x3: {  	s0 =	rddreg [dreg:$0x2]  }
0x4: {  	s3 =	rddreg [dreg:$0x3];
	v0 =	vimm.s32 $0xBA98FEDC;
	v1 =	vimm.s32 $0x76543210;
	v2 =	vimm.s32 $0xFEDCBA98  }
0x5: {  	s4 =	simm.s32 $0x0;
	s5 =	srdreg.scid;
	s6 =	stileid.u32;
	v3 =	vimm.s32 $0x32107654;
	v4 =	vimm.s32 $0xDCFE98BA;
	v5 =	vimm.s32 $0x54761032  }
0x6: {  	v6 =	vimm.s32 $0xEFCDAB89;
	v7 =	vimm.s32 $0x67452301;
	s13 =	simm.s32 $0x3;
	s20 =	simm.s32 $0x12100;
	s21 =	simm.s32 $0x12900  }
0x7: {  	s22 =	simm.s32 $0x13100;
	s23 =	simm.s32 $0x13900;
	vm0 =	vmmov $0xffff;
	s24 =	simm.s32 $0x4100;
	v0 =	vunpack.c.l.s4.s8 v0;
	v3 =	vunpack.c.l.s4.s8 v3  }
0x8: {  	s28 =	simm.s32 $0x2;
	s30 =	simm.s32 $0x0;
	[smem:$0x7FF] =	sst s4;
	v1 =	vunpack.c.l.s4.s8 v1;
	v4 =	vunpack.c.l.s4.s8 v4;
	v5 =	vunpack.c.l.s4.s8 v5  }
0x9: {  	s7 =	sand.u32 $0x1, s5;
	s25 =	sshll.u32 s6, $0x1;
	s6 =	sadd.s32 $0x400, s3;
	v2 =	vunpack.c.l.s4.s8 v2;
	v0 =	vunpack.c.0.s8.s32 v0;
	v3 =	vunpack.c.0.s8.s32 v3  }
0xa: {  	v6 =	vunpack.c.l.s4.s8 v6;
	v7 =	vunpack.c.l.s4.s8 v7;
	_ =	strace $0x80000047;
	s8 =	sor.u32 s7, s25;
	s7 =	ssub.s32 $0x2, s7;
	v4 =	vunpack.c.0.s8.s32 v4  }
0xb: {  	s25 =	simm.s32 $0xC100;
	s9 =	sshll.u32 s8, $0x4;
	s12 =	smul.u32 $0x7000, s8;
	v5 =	vunpack.c.0.s8.s32 v5;
	v2 =	vunpack.c.0.s8.s32 v2;
	v8 =	vcombine.low v3, v0  }
0xc: {  	s5 =	smul.u32 $0xE0, s8;
	s26 =	sshrl.u32 s7, $0x1;
	s8 =	sadd.s32 $0x500, s3;
	v0 =	vunpack.c.0.s8.s32 v6;
	v3 =	vunpack.c.0.s8.s32 v7;
	v6 =	vlaneseq.u32  }
0xd: {  	s11 =	sadd.s32 s9, s3;
	s7 =	ssub.s32 s7, s26;
	s29 =	sadd.s32 s1, s12;
	v5 =	vcombine.low v5, v4;
	v7 =	vunpack.c.0.s8.s32 v1;
	v4 =	vshrl.u32 v6, $0x3  }
0xe: {  	s10 =	sshrl.u32 s5, $0x3;
	s31 =	sadd.s32 s2, s12;
	[dreg:$0x6] =	wrdreg s29;
	v9 =	vcombine.low v3, v0;
	v0 =	vand.u32 $0x7, v6;
	v1 =	vmul.u32 $0x8, v4  }
0xf: {  	s26 =	simm.s32 $0x1;
	s0 =	sadd.s32 s0, s10;
	[dreg:$0x7] =	wrdreg s31;
	v3 =	vand.u32 $0xF, v2;
	v2 =	vor.u32 $0x8, v6;
	v4 =	vand.u32 $0xF, v8  }
0x10: {  	s11 =	sadd.s32 $0xFE00, s11;
	s12 =	smax.u32 s7, $0x1;
	[dreg:$0x5] =	wrdreg s0;
	v5 =	vand.u32 $0xF, v5;
	v3 =	vcombine.low v3, v7;
	v6 =	vand.u32 $0xF, v9  }
.LBB2_1:
0x11: {  	s0 =	rddreg [dreg:$0x5]  }
0x12: {  	[tilespmem:s4], [sflag:$0x3] =	stream.linear.gather [hbm4b:s0+s4], $0xE0, $0x38;
	[tilespmem:$0x14180] =	vst v63  }
0x13: {  	_ =	swait.ge [sflag:s13], $0xE0  }
0x14: {  	[sflag:s13] =	ssyncset.done $0x0  }
0x15: {  	[sflag:s13] =	ssyncadd.s32 $0xFFFFFF20  }
0x16: {  	v7 =	vld [tilespmem:$0x0];
	_ =	sdelay $0x4  }
0x17: {  	v8 =	vshll.u32 v7, $0x2  }
0x18: {  	v7 =	vand.u32 $0x7, v7;
	v8 =	vand.u32 $0xFFFFFFE0, v8  }
0x19: {  	v7 =	vor.u32 v7, v8  }
0x1a: {  	v8 =	vperm.xlane v7, v0;
	_ =	sdelay $0x1  }
0x1b: {  	v8 =	vadd.s32 v1, v8;
	_ =	sdelay $0x1  }
0x1c: {  	v7 =	vperm.xlane v7, v2;
	_ =	sdelay $0x1  }
0x1d: {  	s14 =	simm.s32 $0x10100;
	v7 =	vadd.s32 v1, v7  }
0x1e: {  	[tilespmem:s14], [sflag:$0x1] =	stream.indirect_vreg.gather [hbm4b:s6+s4], $0x80, v8, vm0, $0xb8;
	[tilespmem:$0x14180] =	vst v63  }
0x1f: {  	s15 =	simm.s32 $0x10900  }
0x20: {  	[tilespmem:s15], [sflag:$0x1] =	stream.indirect_vreg.gather [hbm4b:s8+s4], $0x80, v8, vm0, $0xb8;
	[tilespmem:$0x14180] =	vst v63  }
0x21: {  	s16 =	simm.s32 $0x11100  }
0x22: {  	[tilespmem:s16], [sflag:$0x1] =	stream.indirect_vreg.gather [hbm4b:s6+s4], $0x80, v7, vm0, $0xb8;
	[tilespmem:$0x14180] =	vst v63  }
0x23: {  	s17 =	simm.s32 $0x11900  }
0x24: {  	[tilespmem:s17], [sflag:$0x1] =	stream.indirect_vreg.gather [hbm4b:s8+s4], $0x80, v7, vm0, $0xb8;
	[tilespmem:$0x14180] =	vst v63  }
0x25: {  	s3 =	simm.s32 $0x100;
	s18 =	rddreg [dreg:$0x6]  }
0x26: {  	[tilespmem:s3], [sflag:$0x1] =	stream.linear.gather [hbm4b:s18+s4], $0x4000, $0x38;
	[tilespmem:$0x14180] =	vst v63  }
0x27: {  	s29 =	simm.s32 $0x8100;
	s31 =	simm.s32 $0x0;
	s19 =	rddreg [dreg:$0x7]  }
0x28: {  	v7 =	vimm.f32 $0.0e+00;
	[tilespmem:s29], [sflag:$0x1] =	stream.linear.gather [hbm4b:s19+s4], $0x4000, $0x38;
	[tilespmem:$0x14180] =	vst v63  }
.LBB2_2:
0x29: {  	s0 =	sshll.u32 s31, $0x5  }
0x2a: {  	v8 =	vld [tilespmem:s0+$0x10];
	_ =	sdelay $0x4  }
0x2b: {  	v9 =	vshll.u32 v8, $0x2  }
0x2c: {  	v8 =	vand.u32 $0x7, v8;
	v9 =	vand.u32 $0xFFFFFFE0, v9  }
0x2d: {  	v8 =	vor.u32 v8, v9  }
0x2e: {  	v9 =	vperm.xlane v8, v0;
	_ =	sdelay $0x1  }
0x2f: {  	v9 =	vadd.s32 v1, v9;
	_ =	sdelay $0x1  }
0x30: {  	v8 =	vperm.xlane v8, v2;
	_ =	sdelay $0x1  }
0x31: {  	s3 =	simm.s32 $0x0;
	v8 =	vadd.s32 v1, v8  }
0x32: {  	[tilespmem:s20], [sflag:$0x2] =	stream.indirect_vreg.gather [hbm4b:s6+s3], $0x80, v9, vm0, $0xb8;
	[tilespmem:$0x14180] =	vst v63  }
0x33: {  	s7 =	sor.u32 $0x10, s0  }
0x34: {  	[tilespmem:s21], [sflag:$0x2] =	stream.indirect_vreg.gather [hbm4b:s8+s3], $0x80, v9, vm0, $0xb8;
	[tilespmem:$0x14180] =	vst v63  }
0x35: {  	s7 =	sadd.s32 s5, s7  }
0x36: {  	[tilespmem:s22], [sflag:$0x2] =	stream.indirect_vreg.gather [hbm4b:s6+s3], $0x80, v8, vm0, $0xb8;
	[tilespmem:$0x14180] =	vst v63  }
0x37: {  	s7 =	sshll.u32 s7, $0x7  }
0x38: {  	[tilespmem:s23], [sflag:$0x2] =	stream.indirect_vreg.gather [hbm4b:s8+s3], $0x80, v8, vm0, $0xb8;
	[tilespmem:$0x14180] =	vst v63  }
0x39: {  	s14 =	sadd.s32 s1, s7  }
0x3a: {  	[tilespmem:s24], [sflag:$0x2] =	stream.linear.gather [hbm4b:s14+s3], $0x4000, $0x38;
	[tilespmem:$0x14180] =	vst v63  }
0x3b: {  	s7 =	sadd.s32 s2, s7  }
0x3c: {  	[tilespmem:s25], [sflag:$0x2] =	stream.linear.gather [hbm4b:s7+s3], $0x4000, $0x38;
	[tilespmem:$0x14180] =	vst v63  }
0x3d: {  	_ =	swait.ge [sflag:s26], $0x2000  }
0x3e: {  	[sflag:s26] =	ssyncset.done $0x0  }
0x3f: {  	[sflag:s26] =	ssyncadd.s32 $0xFFFFE000  }
0x40: {  	_ =	swait.ge [sflag:s26], $0x4000  }
0x41: {  	[sflag:s26] =	ssyncset.done $0x0  }
0x42: {  	[sflag:s26] =	ssyncadd.s32 $0xFFFFC000  }
0x43: {  	_ =	swait.ge [sflag:s26], $0x4000  }
0x44: {  	[sflag:s26] =	ssyncset.done $0x0  }
0x45: {  	s15 =	simm.s32 $0x0;
	s14 =	simm.s32 $0x0;
	[sflag:s26] =	ssyncadd.s32 $0xFFFFC000  }
.LBB2_3:
0x46: {  	s7 =	sshll.u32 s15, $0xC;
	s16 =	sand.u32 $0x7, s14  }
0x47: {  	s7 =	sand.u32 $0xFFFF8000, s7;
	s16 =	sshll.u32 s16, $0x9  }
0x48: {  	s7 =	sor.u32 s16, s7  }
0x49: {  	s10 =	sshrl.u32 s7, $0x2  }
0x4a: {  	s17 =	sshll.u32 s15, $0x7;
	s18 =	sshll.u32 s15, $0x9;
	s7 =	sadd.s32 $0x140, s10  }
0x4b: {  	s9 =	sand.u32 $0x380, s17;
	s19 =	sand.u32 $0x3FFFF000, s18;
	v14 =	vld [tilespmem:s7+$0xFFFFFFF0]  }
0x4c: {  	v9 =	vmov s9;
	s16 =	sadd.s32 $0x10100, s19;
	s19 =	sadd.s32 $0x8140, s10;
	v12 =	vld [tilespmem:s7+$0xFFFFFFE0]  }
0x4d: {  	v15 =	vld [tilespmem:s19+$0xFFFFFFE0]  }
0x4e: {  	s9 =	sand.u32 $0xC00, s3;
	v16 =	vld [tilespmem:s19+$0xFFFFFFC0]  }
0x4f: {  	s18 =	sadd.s32 s9, s16;
	s10 =	sand.u32 $0x40, s3;
	v17 =	vld [tilespmem:s7+$0xFFFFFFC0]  }
0x50: {  	s17 =	sadd.s32 s10, s18;
	v18 =	vld [tilespmem:s7+$0xFFFFFFD0]  }
0x51: {  	v11 =	vld.idx.msk [tilespmem:v9+s17+$0x0 ss:$0x1], $0xffff  }
0x52: {  	v8 =	vld.idx.msk [tilespmem:v9+s17+$0x30 ss:$0x1], $0xffff  }
0x53: {  	v10 =	vld.idx.msk [tilespmem:v9+s17+$0x10 ss:$0x1], $0xffff  }
0x54: {  	v19 =	vld [tilespmem:s19+$0xFFFFFFD0];
	v13 =	vmul.f32 v14, v14  }
0x55: {  	v21 =	vmul.f32 v12, v12;
	v24 =	vmul.f32 v15, v15  }
0x56: {  	v23 =	vmul.f32 v16, v16;
	v30 =	vmul.f32 v17, v17;
	v22 =	vshll.u32 v11, $0x10  }
0x57: {  	v20 =	vimm.f32 $0.0e+00;
	v26 =	vmul.f32 v22, v17;
	v22 =	vmul.f32 v22, v16  }
0x58: {  	v25 =	vand.u32 $0xFFFF0000, v11;
	v27 =	vand.u32 $0xFFFF0000, v10;
	v11 =	vshll.u32 v8, $0x10;
	v16 =	vld [tilespmem:s19+$0xFFFFFFF0]  }
0x59: {  	v29 =	vld.idx.msk [tilespmem:v9+s17+$0x20 ss:$0x1], $0xffff;
	v28 =	vmul.f32 v25, v18;
	v25 =	vmul.f32 v25, v19;
	v22 =	vadd.f32 v22, v20  }
0x5a: {  	v31 =	vshll.u32 v10, $0x10;
	v18 =	vmul.f32 v18, v18;
	v19 =	vmul.f32 v19, v19;
	v17 =	vld [tilespmem:s19+$0x0]  }
0x5b: {  	v10 =	vld [tilespmem:s19+$0x20];
	v15 =	vmul.f32 v31, v15;
	v32 =	vadd.f32 v26, v20;
	v22 =	vadd.f32 v25, v22  }
0x5c: {  	v26 =	vld [tilespmem:s19+$0x10];
	v25 =	vadd.f32 v30, v20;
	v20 =	vadd.f32 v23, v20;
	v23 =	vmul.f32 v31, v12  }
0x5d: {  	v28 =	vadd.f32 v32, v28;
	v12 =	vld [tilespmem:s7+$0x30];
	v15 =	vadd.f32 v15, v22;
	v22 =	vmul.f32 v27, v16  }
0x5e: {  	v30 =	vadd.f32 v19, v20;
	v20 =	vmul.f32 v27, v14;
	v19 =	vshll.u32 v29, $0x10;
	v14 =	vld [tilespmem:s7+$0x20]  }
0x5f: {  	v25 =	vadd.f32 v18, v25;
	v63 =	vmul.f32 v19, v17;
	v31 =	vadd.f32 v22, v15;
	v22 =	vld [tilespmem:s7+$0x0]  }
0x60: {  	s18 =	simm.s32 $0x200;
	s29 =	sadd.s32 $0x400, s7;
	v23 =	vadd.f32 v23, v28;
	v18 =	vand.u32 $0xFFFF0000, v29;
	v27 =	vadd.f32 v24, v30;
	v15 =	vld [tilespmem:s19+$0x30]  }
0x61: {  	s17 =	simm.s32 $0x0;
	v28 =	vadd.f32 v21, v25;
	v21 =	vld [tilespmem:s7+$0x10];
	v25 =	vmul.f32 v18, v26;
	s19 =	sadd.s32 $0x400, s19;
	s7 =	simm.s32 $0x0;
	v24 =	vadd.f32 v63, v31  }
.LBB2_4:
0x62: {  	s9 =	sand.u32 $0xC00, s18;
	v29 =	vld [tilespmem:s29+$0xFFFFFFF0];
	s17 =	sadd.s32 $0x4, s17;
	v26 =	vmul.f32 v26, v26;
	v30 =	vand.u32 $0xFFFF0000, v8;
	v31 =	vmul.f32 v12, v12;
	s7 =	sadd.s32 $0x40, s7  }
0x63: {  	s10 =	sand.u32 $0x40, s7;
	s9 =	sadd.s32 s9, s16;
	v32 =	vld [tilespmem:s29+$0xFFFFFFE0];
	p0 =	slt.u32 s17, $0x1C;
	v13 =	vadd.f32 v13, v28;
	v8 =	vadd.f32 v25, v24;
	v24 =	vmul.f32 v11, v10  }
0x64: {  	v20 =	vadd.f32 v23, v20;
	v28 =	vmul.f32 v14, v14;
	s9 =	sadd.s32 s10, s9;
	v25 =	vld [tilespmem:s19+$0xFFFFFFE0];
	v23 =	vmul.f32 v22, v22  }
0x65: {  	v19 =	vmul.f32 v19, v22;
	v33 =	vld [tilespmem:s19+$0x20];
	v22 =	vadd.f32 v24, v8;
	v24 =	vmul.f32 v30, v15  }
0x66: {  	v16 =	vmul.f32 v16, v16;
	v8 =	vld.idx.msk [tilespmem:v9+s9+$0x30 ss:$0x1], $0xffff;
	v13 =	vadd.f32 v23, v13;
	v23 =	vmul.f32 v21, v21  }
0x67: {  	v19 =	vadd.f32 v19, v20;
	v18 =	vmul.f32 v18, v21;
	v34 =	vld.idx.msk [tilespmem:v9+s9+$0x10 ss:$0x1], $0xffff;
	v20 =	vadd.f32 v24, v22  }
0x68: {  	v17 =	vmul.f32 v17, v17;
	v16 =	vadd.f32 v16, v27;
	v21 =	vld.idx.msk [tilespmem:v9+s9+$0x0 ss:$0x1], $0xffff;
	v22 =	vadd.f32 v23, v13  }
0x69: {  	v11 =	vmul.f32 v11, v14;
	v14 =	vmul.f32 v15, v15;
	v18 =	vadd.f32 v19, v18;
	v23 =	vld [tilespmem:s19+$0xFFFFFFC0]  }
0x6a: {  	v16 =	vadd.f32 v17, v16;
	v13 =	vmul.f32 v29, v29;
	v15 =	vld [tilespmem:s29+$0xFFFFFFC0];
	v17 =	vadd.f32 v28, v22  }
0x6b: {  	v12 =	vmul.f32 v30, v12;
	v11 =	vadd.f32 v11, v18;
	v18 =	vmul.f32 v10, v10;
	v10 =	vmovc v33;
	v19 =	vld [tilespmem:s29+$0xFFFFFFD0]  }
0x6c: {  	v24 =	vmul.f32 v32, v32;
	v16 =	vadd.f32 v26, v16;
	v22 =	vld [tilespmem:s19+$0xFFFFFFD0];
	v26 =	vadd.f32 v31, v17  }
0x6d: {  	v28 =	vmul.f32 v25, v25;
	v27 =	vand.u32 $0xFFFF0000, v34;
	v12 =	vadd.f32 v11, v12  }
0x6e: {  	v11 =	vshll.u32 v21, $0x10;
	v17 =	vand.u32 $0xFFFF0000, v21;
	v21 =	vmul.f32 v23, v23  }
0x6f: {  	v18 =	vadd.f32 v18, v16;
	v23 =	vmul.f32 v11, v23;
	v30 =	vmul.f32 v11, v15;
	v31 =	vld.idx.msk [tilespmem:v9+s9+$0x20 ss:$0x1], $0xffff  }
0x70: {  	v11 =	vshll.u32 v8, $0x10;
	v33 =	vmul.f32 v17, v19;
	v35 =	vmul.f32 v19, v19;
	v16 =	vld [tilespmem:s19+$0xFFFFFFF0]  }
0x71: {  	v14 =	vadd.f32 v14, v18;
	v19 =	vadd.f32 v23, v20;
	v20 =	vmul.f32 v17, v22  }
0x72: {  	v15 =	vmul.f32 v15, v15;
	v18 =	vmul.f32 v22, v22;
	v22 =	vshll.u32 v34, $0x10;
	v17 =	vld [tilespmem:s19+$0x0]  }
0x73: {  	v12 =	vadd.f32 v30, v12;
	v19 =	vadd.f32 v20, v19;
	v20 =	vmul.f32 v22, v25  }
0x74: {  	v14 =	vadd.f32 v21, v14;
	v15 =	vadd.f32 v15, v26;
	v21 =	vmul.f32 v22, v32;
	v26 =	vld [tilespmem:s19+$0x10]  }
.Ltmp0:
0x75: {  	v23 =	vadd.f32 v12, v33;
	v22 =	vadd.f32 v20, v19;
	v25 =	vmul.f32 v27, v16;
	v12 =	vld [tilespmem:s29+$0x30];
	(pc) =	sbr.rel @p0 .LBB2_4-.Ltmp0, $4  }
0x76: {  	v18 =	vadd.f32 v18, v14;
	v20 =	vmul.f32 v27, v29;
	v19 =	vshll.u32 v31, $0x10;
	v14 =	vld [tilespmem:s29+$0x20]  }
0x77: {  	v29 =	vadd.f32 v35, v15;
	v25 =	vadd.f32 v25, v22;
	v22 =	vld [tilespmem:s29+$0x0];
	v30 =	vmul.f32 v19, v17  }
0x78: {  	v23 =	vadd.f32 v21, v23;
	v27 =	vadd.f32 v28, v18;
	v18 =	vand.u32 $0xFFFF0000, v31;
	v15 =	vld [tilespmem:s19+$0x30]  }
0x79: {  	s18 =	sadd.s32 $0x200, s18;
	v28 =	vadd.f32 v24, v29;
	s19 =	sadd.s32 $0x400, s19;
	v21 =	vld [tilespmem:s29+$0x10];
	v24 =	vadd.f32 v30, v25;
	v25 =	vmul.f32 v18, v26;
	s29 =	sadd.s32 $0x400, s29  }
0x7a: {  	_ = 	snop  }
0x7b: {  	v9 =	vmul.f32 v16, v16  }
0x7c: {  	v13 =	vadd.f32 v13, v28;
	v33 =	vmul.f32 v22, v22  }
0x7d: {  	v17 =	vmul.f32 v17, v17;
	v9 =	vadd.f32 v9, v27  }
0x7e: {  	v13 =	vadd.f32 v33, v13;
	v34 =	vmul.f32 v21, v21  }
0x7f: {  	v26 =	vmul.f32 v26, v26;
	v9 =	vadd.f32 v17, v9  }
0x80: {  	v35 =	vmul.f32 v14, v14;
	v13 =	vadd.f32 v34, v13  }
0x81: {  	v36 =	vmul.f32 v10, v10;
	v9 =	vadd.f32 v26, v9  }
0x82: {  	v37 =	vmul.f32 v12, v12;
	v13 =	vadd.f32 v35, v13  }
0x83: {  	v38 =	vmul.f32 v15, v15;
	v9 =	vadd.f32 v36, v9  }
0x84: {  	v13 =	vadd.f32 v37, v13  }
0x85: {  	v9 =	vadd.f32 v38, v9  }
0x86: {  	v39 =	vperm.xlane v13, v3  }
0x87: {  	v17 =	vperm.xlane v9, v3  }
0x88: {  	v13 =	vadd.f32 v39, v13  }
0x89: {  	v9 =	vadd.f32 v17, v9  }
0x8a: {  	v16 =	vperm.xlane v13, v4  }
0x8b: {  	v17 =	vperm.xlane v9, v4  }
0x8c: {  	v13 =	vadd.f32 v16, v13  }
0x8d: {  	v9 =	vadd.f32 v17, v9  }
0x8e: {  	v16 =	vperm.xlane v13, v5  }
0x8f: {  	v17 =	vperm.xlane v9, v5  }
0x90: {  	v13 =	vadd.f32 v16, v13  }
0x91: {  	v9 =	vadd.f32 v17, v9  }
0x92: {  	v16 =	vperm.xlane v13, v6  }
0x93: {  	v17 =	vperm.xlane v9, v6  }
0x94: {  	v13 =	vadd.f32 v16, v13  }
0x95: {  	v40 =	vadd.f32 v23, v20;
	v9 =	vadd.f32 v17, v9  }
0x96: {  	v41 =	vmul.f32 v11, v10;
	v19 =	vmul.f32 v19, v22;
	v13 =	vmax.f32 v13, $1.000000020e-24  }
0x97: {  	v18 =	vmul.f32 v18, v21;
	v9 =	vmax.f32 v9, $1.000000020e-24;
	v42 =	vshrl.u32 v13, $0x1  }
0x98: {  	v13 =	vmul.f32 $5.000000000e-01, v13;
	v43 =	vshrl.u32 v9, $0x1;
	v9 =	vmul.f32 $5.000000000e-01, v9  }
0x99: {  	v16 =	vadd.f32 v19, v40;
	v17 =	vsub.s32 $0x5F3759DF, v42;
	v19 =	vsub.s32 $0x5F3759DF, v43  }
0x9a: {  	v44 =	vadd.f32 v25, v24;
	v45 =	vmul.f32 v17, v13;
	v46 =	vmul.f32 v19, v9  }
0x9b: {  	v8 =	vand.u32 $0xFFFF0000, v8;
	v47 =	vmul.f32 v11, v14;
	v16 =	vadd.f32 v16, v18  }
0x9c: {  	v10 =	vadd.f32 v41, v44;
	v48 =	vmul.f32 v17, v45;
	v49 =	vmul.f32 v19, v46  }
0x9d: {  	v50 =	vmul.f32 v8, v15;
	v8 =	vmul.f32 v8, v12;
	v11 =	vadd.f32 v47, v16  }
0x9e: {  	v51 =	vsub.f32 $1.500000000e+00, v48;
	v52 =	vsub.f32 $1.500000000e+00, v49  }
0x9f: {  	v10 =	vadd.f32 v50, v10;
	v8 =	vadd.f32 v11, v8  }
0xa0: {  	v53 =	vmul.f32 v17, v51;
	v54 =	vmul.f32 v19, v52  }
0xa1: {  	v15 =	vperm.xlane v10, v3;
	v55 =	vperm.xlane v8, v3  }
0xa2: {  	v56 =	vmul.f32 v53, v13;
	v57 =	vmul.f32 v54, v9  }
0xa3: {  	v10 =	vadd.f32 v15, v10;
	v8 =	vadd.f32 v55, v8  }
0xa4: {  	v58 =	vmul.f32 v56, v53;
	v59 =	vmul.f32 v57, v54  }
0xa5: {  	v61 =	vperm.xlane v10, v4;
	v60 =	vperm.xlane v8, v4  }
0xa6: {  	v14 =	vsub.f32 $1.500000000e+00, v58;
	v15 =	vsub.f32 $1.500000000e+00, v59  }
0xa7: {  	v10 =	vadd.f32 v61, v10;
	v8 =	vadd.f32 v60, v8  }
0xa8: {  	v11 =	vmul.f32 v14, v53;
	v12 =	vmul.f32 v15, v54  }
0xa9: {  	v63 =	vperm.xlane v10, v5;
	v62 =	vperm.xlane v8, v5  }
0xaa: {  	v13 =	vmul.f32 v11, v13;
	v9 =	vmul.f32 v12, v9  }
0xab: {  	v10 =	vadd.f32 v63, v10  }
0xac: {  	v8 =	vadd.f32 v62, v8;
	v13 =	vmul.f32 v13, v11;
	v9 =	vmul.f32 v9, v12  }
0xad: {  	v15 =	vperm.xlane v10, v6  }
0xae: {  	v14 =	vperm.xlane v8, v6;
	v13 =	vsub.f32 $1.500000000e+00, v13;
	v9 =	vsub.f32 $1.500000000e+00, v9  }
0xaf: {  	v10 =	vadd.f32 v15, v10  }
0xb0: {  	v8 =	vadd.f32 v14, v8;
	v11 =	vmul.f32 v13, v11;
	v9 =	vmul.f32 v9, v12;
	_ =	sdelay $0x1  }
0xb1: {  	v8 =	vmul.f32 v11, v8;
	v9 =	vmul.f32 v9, v10;
	_ =	sdelay $0x1  }
0xb2: {  	s15 =	sadd.s32 $0x1, s15;
	v8 =	vadd.f32 v9, v8  }
0xb3: {  	p0 =	sne.s32 s15, $0x10  }
.Ltmp1:
0xb4: {  	v8 =	vmul.f32 $5.000000000e-01, v8;
	(pc) =	sbr.rel @p0 .LBB2_3-.Ltmp1, $3  }
0xb5: {  	_ = 	snop  }
0xb6: {  	v8 =	vsub.f32 $1.000000000e+00, v8;
	_ =	sdelay $0x1  }
0xb7: {  	s14 =	sadd.s32 $0x1, s14;
	v7 =	vadd.f32 v8, v7  }
0xb8: {  	p0 =	seq.s32 s31, $0x6  }
0xb9: {  	v8 =	vld @!p0 [tilespmem:s0+$0x20];
	_ =	sdelay $0x4  }
0xba: {  	v9 =	vshll.u32 @!p0 v8, $0x2  }
0xbb: {  	v10 =	vlaneseq.u32 @!p0;
	v8 =	vand.u32 @!p0 $0x7, v8;
	v9 =	vand.u32 @!p0 $0xFFFFFFE0, v9  }
0xbc: {  	v11 =	vshrl.u32 @!p0 v10, $0x3;
	v8 =	vor.u32 @!p0 v8, v9;
	v9 =	vand.u32 @!p0 $0x7, v10  }
0xbd: {  	v11 =	vmul.u32 @!p0 $0x8, v11;
	v9 =	vperm.xlane @!p0 v8, v9;
	_ =	sdelay $0x1  }
0xbe: {  	v9 =	vadd.s32 @!p0 v11, v9  }
0xbf: {  	v10 =	vor.u32 @!p0 $0x8, v10  }
0xc0: {  	v8 =	vperm.xlane @!p0 v8, v10;
	_ =	sdelay $0x1  }
0xc1: {  	vm1 =	vmmov @!p0 $0xffff;
	s3 =	simm.s32 @!p0 $0x0;
	s7 =	simm.s32 @!p0 $0x10100;
	v8 =	vadd.s32 @!p0 v11, v8  }
0xc2: {  	[tilespmem:s7], [sflag:$0x1] =	stream.indirect_vreg.gather @!p0 [hbm4b:s6+s3], $0x80, v9, vm1, $0xb8;
	[tilespmem:$0x14180] =	vst v63  }
0xc3: {  	s0 =	sadd.s32 @!p0 $0x20, s0;
	s7 =	simm.s32 @!p0 $0x10900  }
0xc4: {  	[tilespmem:s7], [sflag:$0x1] =	stream.indirect_vreg.gather @!p0 [hbm4b:s8+s3], $0x80, v9, vm1, $0xb8;
	[tilespmem:$0x14180] =	vst v63  }
0xc5: {  	s0 =	sadd.s32 @!p0 s5, s0;
	s7 =	simm.s32 @!p0 $0x11100  }
0xc6: {  	[tilespmem:s7], [sflag:$0x1] =	stream.indirect_vreg.gather @!p0 [hbm4b:s6+s3], $0x80, v8, vm1, $0xb8;
	[tilespmem:$0x14180] =	vst v63  }
0xc7: {  	s0 =	sshll.u32 @!p0 s0, $0x7;
	s7 =	simm.s32 @!p0 $0x11900  }
0xc8: {  	[tilespmem:s7], [sflag:$0x1] =	stream.indirect_vreg.gather @!p0 [hbm4b:s8+s3], $0x80, v8, vm1, $0xb8;
	[tilespmem:$0x14180] =	vst v63  }
0xc9: {  	s9 =	simm.s32 @!p0 $0x100;
	s7 =	sadd.s32 @!p0 s1, s0  }
0xca: {  	[tilespmem:s9], [sflag:$0x1] =	stream.linear.gather @!p0 [hbm4b:s7+s3], $0x4000, $0x38;
	[tilespmem:$0x14180] =	vst v63  }
0xcb: {  	s0 =	sadd.s32 @!p0 s2, s0;
	s7 =	simm.s32 @!p0 $0x8100  }
0xcc: {  	[tilespmem:s7], [sflag:$0x1] =	stream.linear.gather @!p0 [hbm4b:s0+s3], $0x4000, $0x38;
	[tilespmem:$0x14180] =	vst v63  }
0xcd: {  	_ =	swait.ge [sflag:s28], $0x2000  }
0xce: {  	[sflag:s28] =	ssyncset.done $0x0  }
0xcf: {  	[sflag:s28] =	ssyncadd.s32 $0xFFFFE000  }
0xd0: {  	_ =	swait.ge [sflag:s28], $0x4000  }
0xd1: {  	[sflag:s28] =	ssyncset.done $0x0  }
0xd2: {  	[sflag:s28] =	ssyncadd.s32 $0xFFFFC000  }
0xd3: {  	_ =	swait.ge [sflag:s28], $0x4000  }
0xd4: {  	s14 =	simm.s32 $0x0;
	[sflag:s28] =	ssyncset.done $0x0  }
0xd5: {  	s0 =	simm.s32 $0x0;
	s3 =	simm.s32 $0x0;
	[sflag:s28] =	ssyncadd.s32 $0xFFFFC000  }
.LBB2_7:
0xd6: {  	s7 =	sshll.u32 s14, $0xC;
	s9 =	sand.u32 $0x7, s3  }
0xd7: {  	s7 =	sand.u32 $0xFFFF8000, s7;
	s9 =	sshll.u32 s9, $0x9  }
0xd8: {  	s7 =	sor.u32 s9, s7  }
0xd9: {  	s17 =	sshrl.u32 s7, $0x2  }
0xda: {  	s10 =	sshll.u32 s14, $0x7;
	s15 =	sshll.u32 s14, $0x9;
	s7 =	sadd.s32 $0x4140, s17  }
0xdb: {  	s16 =	sand.u32 $0x380, s10;
	s18 =	sand.u32 $0x3FFFF000, s15;
	v14 =	vld [tilespmem:s7+$0xFFFFFFF0]  }
0xdc: {  	v9 =	vmov s16;
	s15 =	sadd.s32 $0x12100, s18;
	s18 =	sadd.s32 $0xC140, s17;
	v12 =	vld [tilespmem:s7+$0xFFFFFFE0]  }
0xdd: {  	v15 =	vld [tilespmem:s18+$0xFFFFFFE0]  }
0xde: {  	s19 =	sand.u32 $0xC00, s0;
	v16 =	vld [tilespmem:s18+$0xFFFFFFC0]  }
0xdf: {  	s29 =	sand.u32 $0x40, s0;
	s9 =	sadd.s32 s19, s15;
	v17 =	vld [tilespmem:s7+$0xFFFFFFC0]  }
0xe0: {  	s9 =	sadd.s32 s29, s9;
	v18 =	vld [tilespmem:s7+$0xFFFFFFD0]  }
0xe1: {  	v11 =	vld.idx.msk [tilespmem:v9+s9+$0x0 ss:$0x1], $0xffff  }
0xe2: {  	v8 =	vld.idx.msk [tilespmem:v9+s9+$0x30 ss:$0x1], $0xffff  }
0xe3: {  	v10 =	vld.idx.msk [tilespmem:v9+s9+$0x10 ss:$0x1], $0xffff  }
0xe4: {  	v19 =	vld [tilespmem:s18+$0xFFFFFFD0];
	v13 =	vmul.f32 v14, v14  }
0xe5: {  	v21 =	vmul.f32 v12, v12;
	v24 =	vmul.f32 v15, v15  }
0xe6: {  	v23 =	vmul.f32 v16, v16;
	v30 =	vmul.f32 v17, v17;
	v22 =	vshll.u32 v11, $0x10  }
0xe7: {  	v20 =	vimm.f32 $0.0e+00;
	v26 =	vmul.f32 v22, v17;
	v22 =	vmul.f32 v22, v16  }
0xe8: {  	v25 =	vand.u32 $0xFFFF0000, v11;
	v27 =	vand.u32 $0xFFFF0000, v10;
	v11 =	vshll.u32 v8, $0x10;
	v16 =	vld [tilespmem:s18+$0xFFFFFFF0]  }
0xe9: {  	v29 =	vld.idx.msk [tilespmem:v9+s9+$0x20 ss:$0x1], $0xffff;
	v28 =	vmul.f32 v25, v18;
	v25 =	vmul.f32 v25, v19;
	v22 =	vadd.f32 v22, v20  }
0xea: {  	v31 =	vshll.u32 v10, $0x10;
	v18 =	vmul.f32 v18, v18;
	v19 =	vmul.f32 v19, v19;
	v17 =	vld [tilespmem:s18+$0x0]  }
0xeb: {  	v10 =	vld [tilespmem:s18+$0x20];
	v15 =	vmul.f32 v31, v15;
	v32 =	vadd.f32 v26, v20;
	v22 =	vadd.f32 v25, v22  }
0xec: {  	v26 =	vld [tilespmem:s18+$0x10];
	v25 =	vadd.f32 v30, v20;
	v20 =	vadd.f32 v23, v20;
	v23 =	vmul.f32 v31, v12  }
0xed: {  	v28 =	vadd.f32 v32, v28;
	v12 =	vld [tilespmem:s7+$0x30];
	v15 =	vadd.f32 v15, v22;
	v22 =	vmul.f32 v27, v16  }
0xee: {  	v30 =	vadd.f32 v19, v20;
	v20 =	vmul.f32 v27, v14;
	v19 =	vshll.u32 v29, $0x10;
	v14 =	vld [tilespmem:s7+$0x20]  }
0xef: {  	v25 =	vadd.f32 v18, v25;
	v63 =	vmul.f32 v19, v17;
	v31 =	vadd.f32 v22, v15;
	v22 =	vld [tilespmem:s7+$0x0]  }
0xf0: {  	s16 =	simm.s32 $0x0;
	s17 =	simm.s32 $0x200;
	v23 =	vadd.f32 v23, v28;
	v18 =	vand.u32 $0xFFFF0000, v29;
	v27 =	vadd.f32 v24, v30;
	v15 =	vld [tilespmem:s18+$0x30]  }
0xf1: {  	s19 =	sadd.s32 $0x400, s7;
	v28 =	vadd.f32 v21, v25;
	v21 =	vld [tilespmem:s7+$0x10];
	v25 =	vmul.f32 v18, v26;
	s18 =	sadd.s32 $0x400, s18;
	s7 =	simm.s32 $0x0;
	v24 =	vadd.f32 v63, v31  }
.LBB2_8:
0xf2: {  	s9 =	sand.u32 $0xC00, s17;
	v29 =	vld [tilespmem:s19+$0xFFFFFFF0];
	s16 =	sadd.s32 $0x4, s16;
	v26 =	vmul.f32 v26, v26;
	v30 =	vand.u32 $0xFFFF0000, v8;
	v31 =	vmul.f32 v12, v12;
	s7 =	sadd.s32 $0x40, s7  }
0xf3: {  	s10 =	sand.u32 $0x40, s7;
	s9 =	sadd.s32 s9, s15;
	v32 =	vld [tilespmem:s19+$0xFFFFFFE0];
	p0 =	slt.u32 s16, $0x1C;
	v13 =	vadd.f32 v13, v28;
	v8 =	vadd.f32 v25, v24;
	v24 =	vmul.f32 v11, v10  }
0xf4: {  	v20 =	vadd.f32 v23, v20;
	v28 =	vmul.f32 v14, v14;
	s9 =	sadd.s32 s10, s9;
	v25 =	vld [tilespmem:s18+$0xFFFFFFE0];
	v23 =	vmul.f32 v22, v22  }
0xf5: {  	v19 =	vmul.f32 v19, v22;
	v33 =	vld [tilespmem:s18+$0x20];
	v22 =	vadd.f32 v24, v8;
	v24 =	vmul.f32 v30, v15  }
0xf6: {  	v16 =	vmul.f32 v16, v16;
	v8 =	vld.idx.msk [tilespmem:v9+s9+$0x30 ss:$0x1], $0xffff;
	v13 =	vadd.f32 v23, v13;
	v23 =	vmul.f32 v21, v21  }
0xf7: {  	v19 =	vadd.f32 v19, v20;
	v18 =	vmul.f32 v18, v21;
	v34 =	vld.idx.msk [tilespmem:v9+s9+$0x10 ss:$0x1], $0xffff;
	v20 =	vadd.f32 v24, v22  }
0xf8: {  	v17 =	vmul.f32 v17, v17;
	v16 =	vadd.f32 v16, v27;
	v21 =	vld.idx.msk [tilespmem:v9+s9+$0x0 ss:$0x1], $0xffff;
	v22 =	vadd.f32 v23, v13  }
0xf9: {  	v11 =	vmul.f32 v11, v14;
	v14 =	vmul.f32 v15, v15;
	v18 =	vadd.f32 v19, v18;
	v23 =	vld [tilespmem:s18+$0xFFFFFFC0]  }
0xfa: {  	v16 =	vadd.f32 v17, v16;
	v13 =	vmul.f32 v29, v29;
	v15 =	vld [tilespmem:s19+$0xFFFFFFC0];
	v17 =	vadd.f32 v28, v22  }
0xfb: {  	v12 =	vmul.f32 v30, v12;
	v11 =	vadd.f32 v11, v18;
	v18 =	vmul.f32 v10, v10;
	v10 =	vmovc v33;
	v19 =	vld [tilespmem:s19+$0xFFFFFFD0]  }
0xfc: {  	v24 =	vmul.f32 v32, v32;
	v16 =	vadd.f32 v26, v16;
	v22 =	vld [tilespmem:s18+$0xFFFFFFD0];
	v26 =	vadd.f32 v31, v17  }
0xfd: {  	v28 =	vmul.f32 v25, v25;
	v27 =	vand.u32 $0xFFFF0000, v34;
	v12 =	vadd.f32 v11, v12  }
0xfe: {  	v11 =	vshll.u32 v21, $0x10;
	v17 =	vand.u32 $0xFFFF0000, v21;
	v21 =	vmul.f32 v23, v23  }
0xff: {  	v18 =	vadd.f32 v18, v16;
	v23 =	vmul.f32 v11, v23;
	v30 =	vmul.f32 v11, v15;
	v31 =	vld.idx.msk [tilespmem:v9+s9+$0x20 ss:$0x1], $0xffff  }
0x100: {  	v11 =	vshll.u32 v8, $0x10;
	v33 =	vmul.f32 v17, v19;
	v35 =	vmul.f32 v19, v19;
	v16 =	vld [tilespmem:s18+$0xFFFFFFF0]  }
0x101: {  	v14 =	vadd.f32 v14, v18;
	v19 =	vadd.f32 v23, v20;
	v20 =	vmul.f32 v17, v22  }
0x102: {  	v15 =	vmul.f32 v15, v15;
	v18 =	vmul.f32 v22, v22;
	v22 =	vshll.u32 v34, $0x10;
	v17 =	vld [tilespmem:s18+$0x0]  }
0x103: {  	v12 =	vadd.f32 v30, v12;
	v19 =	vadd.f32 v20, v19;
	v20 =	vmul.f32 v22, v25  }
0x104: {  	v14 =	vadd.f32 v21, v14;
	v15 =	vadd.f32 v15, v26;
	v21 =	vmul.f32 v22, v32;
	v26 =	vld [tilespmem:s18+$0x10]  }
.Ltmp2:
0x105: {  	v23 =	vadd.f32 v12, v33;
	v22 =	vadd.f32 v20, v19;
	v25 =	vmul.f32 v27, v16;
	v12 =	vld [tilespmem:s19+$0x30];
	(pc) =	sbr.rel @p0 .LBB2_8-.Ltmp2, $4  }
0x106: {  	v18 =	vadd.f32 v18, v14;
	v20 =	vmul.f32 v27, v29;
	v19 =	vshll.u32 v31, $0x10;
	v14 =	vld [tilespmem:s19+$0x20]  }
0x107: {  	v29 =	vadd.f32 v35, v15;
	v25 =	vadd.f32 v25, v22;
	v22 =	vld [tilespmem:s19+$0x0];
	v30 =	vmul.f32 v19, v17  }
0x108: {  	v23 =	vadd.f32 v21, v23;
	v27 =	vadd.f32 v28, v18;
	v18 =	vand.u32 $0xFFFF0000, v31;
	v15 =	vld [tilespmem:s18+$0x30]  }
0x109: {  	s17 =	sadd.s32 $0x200, s17;
	v28 =	vadd.f32 v24, v29;
	s18 =	sadd.s32 $0x400, s18;
	v21 =	vld [tilespmem:s19+$0x10];
	v24 =	vadd.f32 v30, v25;
	v25 =	vmul.f32 v18, v26;
	s19 =	sadd.s32 $0x400, s19  }
0x10a: {  	_ = 	snop  }
0x10b: {  	v9 =	vmul.f32 v16, v16  }
0x10c: {  	v13 =	vadd.f32 v13, v28;
	v33 =	vmul.f32 v22, v22  }
0x10d: {  	v17 =	vmul.f32 v17, v17;
	v9 =	vadd.f32 v9, v27  }
0x10e: {  	v13 =	vadd.f32 v33, v13;
	v34 =	vmul.f32 v21, v21  }
0x10f: {  	v26 =	vmul.f32 v26, v26;
	v9 =	vadd.f32 v17, v9  }
0x110: {  	v35 =	vmul.f32 v14, v14;
	v13 =	vadd.f32 v34, v13  }
0x111: {  	v36 =	vmul.f32 v10, v10;
	v9 =	vadd.f32 v26, v9  }
0x112: {  	v37 =	vmul.f32 v12, v12;
	v13 =	vadd.f32 v35, v13  }
0x113: {  	v38 =	vmul.f32 v15, v15;
	v9 =	vadd.f32 v36, v9  }
0x114: {  	v13 =	vadd.f32 v37, v13  }
0x115: {  	v9 =	vadd.f32 v38, v9  }
0x116: {  	v39 =	vperm.xlane v13, v3  }
0x117: {  	v17 =	vperm.xlane v9, v3  }
0x118: {  	v13 =	vadd.f32 v39, v13  }
0x119: {  	v9 =	vadd.f32 v17, v9  }
0x11a: {  	v16 =	vperm.xlane v13, v4  }
0x11b: {  	v17 =	vperm.xlane v9, v4  }
0x11c: {  	v13 =	vadd.f32 v16, v13  }
0x11d: {  	v9 =	vadd.f32 v17, v9  }
0x11e: {  	v16 =	vperm.xlane v13, v5  }
0x11f: {  	v17 =	vperm.xlane v9, v5  }
0x120: {  	v13 =	vadd.f32 v16, v13  }
0x121: {  	v9 =	vadd.f32 v17, v9  }
0x122: {  	v16 =	vperm.xlane v13, v6  }
0x123: {  	v17 =	vperm.xlane v9, v6  }
0x124: {  	v13 =	vadd.f32 v16, v13  }
0x125: {  	v40 =	vadd.f32 v23, v20;
	v9 =	vadd.f32 v17, v9  }
0x126: {  	v41 =	vmul.f32 v11, v10;
	v19 =	vmul.f32 v19, v22;
	v13 =	vmax.f32 v13, $1.000000020e-24  }
0x127: {  	v18 =	vmul.f32 v18, v21;
	v9 =	vmax.f32 v9, $1.000000020e-24;
	v42 =	vshrl.u32 v13, $0x1  }
0x128: {  	v13 =	vmul.f32 $5.000000000e-01, v13;
	v43 =	vshrl.u32 v9, $0x1;
	v9 =	vmul.f32 $5.000000000e-01, v9  }
0x129: {  	v16 =	vadd.f32 v19, v40;
	v17 =	vsub.s32 $0x5F3759DF, v42;
	v19 =	vsub.s32 $0x5F3759DF, v43  }
0x12a: {  	v44 =	vadd.f32 v25, v24;
	v45 =	vmul.f32 v17, v13;
	v46 =	vmul.f32 v19, v9  }
0x12b: {  	v8 =	vand.u32 $0xFFFF0000, v8;
	v47 =	vmul.f32 v11, v14;
	v16 =	vadd.f32 v16, v18  }
0x12c: {  	v10 =	vadd.f32 v41, v44;
	v48 =	vmul.f32 v17, v45;
	v49 =	vmul.f32 v19, v46  }
0x12d: {  	v50 =	vmul.f32 v8, v15;
	v8 =	vmul.f32 v8, v12;
	v11 =	vadd.f32 v47, v16  }
0x12e: {  	v51 =	vsub.f32 $1.500000000e+00, v48;
	v52 =	vsub.f32 $1.500000000e+00, v49  }
0x12f: {  	v10 =	vadd.f32 v50, v10;
	v8 =	vadd.f32 v11, v8  }
0x130: {  	v53 =	vmul.f32 v17, v51;
	v54 =	vmul.f32 v19, v52  }
0x131: {  	v15 =	vperm.xlane v10, v3;
	v55 =	vperm.xlane v8, v3  }
0x132: {  	v56 =	vmul.f32 v53, v13;
	v57 =	vmul.f32 v54, v9  }
0x133: {  	v10 =	vadd.f32 v15, v10;
	v8 =	vadd.f32 v55, v8  }
0x134: {  	v58 =	vmul.f32 v56, v53;
	v59 =	vmul.f32 v57, v54  }
0x135: {  	v61 =	vperm.xlane v10, v4;
	v60 =	vperm.xlane v8, v4  }
0x136: {  	v14 =	vsub.f32 $1.500000000e+00, v58;
	v15 =	vsub.f32 $1.500000000e+00, v59  }
0x137: {  	v10 =	vadd.f32 v61, v10;
	v8 =	vadd.f32 v60, v8  }
0x138: {  	v11 =	vmul.f32 v14, v53;
	v12 =	vmul.f32 v15, v54  }
0x139: {  	v63 =	vperm.xlane v10, v5;
	v62 =	vperm.xlane v8, v5  }
0x13a: {  	v13 =	vmul.f32 v11, v13;
	v9 =	vmul.f32 v12, v9  }
0x13b: {  	v10 =	vadd.f32 v63, v10  }
0x13c: {  	v8 =	vadd.f32 v62, v8;
	v13 =	vmul.f32 v13, v11;
	v9 =	vmul.f32 v9, v12  }
0x13d: {  	v15 =	vperm.xlane v10, v6  }
0x13e: {  	v14 =	vperm.xlane v8, v6;
	v13 =	vsub.f32 $1.500000000e+00, v13;
	v9 =	vsub.f32 $1.500000000e+00, v9  }
0x13f: {  	v10 =	vadd.f32 v15, v10  }
0x140: {  	v8 =	vadd.f32 v14, v8;
	v11 =	vmul.f32 v13, v11;
	v9 =	vmul.f32 v9, v12;
	_ =	sdelay $0x1  }
0x141: {  	v8 =	vmul.f32 v11, v8;
	v9 =	vmul.f32 v9, v10;
	_ =	sdelay $0x1  }
0x142: {  	s14 =	sadd.s32 $0x1, s14;
	v8 =	vadd.f32 v9, v8  }
0x143: {  	p0 =	sne.s32 s14, $0x10  }
.Ltmp3:
0x144: {  	v8 =	vmul.f32 $5.000000000e-01, v8;
	(pc) =	sbr.rel @p0 .LBB2_7-.Ltmp3, $3  }
0x145: {  	_ = 	snop  }
0x146: {  	v8 =	vsub.f32 $1.000000000e+00, v8;
	_ =	sdelay $0x1  }
0x147: {  	s3 =	sadd.s32 $0x1, s3;
	v7 =	vadd.f32 v8, v7  }
0x148: {  	s31 =	sadd.s32 $0x1, s31  }
0x149: {  	p0 =	sne.s32 s31, $0x7  }
.Ltmp4:
0x14a: {  	_ = 	snop;
	(pc) =	sbr.rel @p0 .LBB2_2-.Ltmp4, $1  }
0x14b: {  	_ =	sdelay $0x3  }
0x14c: {  	s30 =	sadd.s32 $0x1, s30  }
0x14d: {  	p0 =	sne.s32 s30, s12  }
.Ltmp5:
0x14e: {  	[tilespmem:$0x14100] =	vst v7;
	s0 =	simm.s32 $0x14100;
	(pc) =	sbr.rel @p0 .LBB2_1-.Ltmp5, $4  }
0x14f: {  	[hbm4b:s11+s4] =	stream.linear.scatter [tilespmem:s0], [sflag:$0x3], $0x80, $0x38;
	[tilespmem:$0x14180] =	vst v63  }
0x150: {  	_ =	swait.ge [sflag:s13], $0x80  }
0x151: {  	[sflag:s13] =	ssyncset.done $0x0  }
0x152: {  	[sflag:s13] =	ssyncadd.s32 $0xFFFFFF80  }
0x153: {  	_ =	sfence.sel $0x180000  }
0x154: {  	[bflag:$0x0] =	sbarrier.arrive $0xFFFF  }
0x155: {  	_ =	strace $0x90000047  }
0x156: {  	s0 =	stileid.u32;
	[bflag:$0x2] =	sbarrier.arrive $0xFFFF  }
0x157: {  	p0 =	sne.s32 s0, $0x0;
	s0 =	rddreg [dreg:$0x4]  }
0x158: {  	s0 =	sadd.s32 @!p0 $0x100000, s0  }
0x159: {  	[sflag:s0] =	ssyncadd.tile.s32 @!p0 $0x1;
	_ =	shalt  }
.Lfunc_end2:
_tile_overlayer_lowered:
.L_overlay_start_2:
0x15a: {  	(tag) =	ssettag $0x2  }
0x15b: {  	s0 =	rddreg [dreg:$0x0];
	s2 =	stileid.u32  }
0x15c: {  	s1 =	rddreg [dreg:$0x1];
	p0 =	sne.s32 s2, $0x0  }
0x15d: {  	s3 =	rddreg [dreg:$0x2];
	[bflag:$0x3] =	sbarrier.arrive $0xFFFF;
	s2 =	simm.s32 @!p0 $0x1C03  }
0x15e: {  	[timem:s3], [sflag:s2] =	dma.local @!p0 [hbm:s0], s1  }
0x15f: {  	s0 =	simm.s32 @!p0 $0x3  }
0x160: {  	_ =	swait.ge @!p0 [sflag:s0], s1  }
0x161: {  	s1 =	ssub.s32 @!p0 $0x0, s1;
	[sflag:s0] =	ssyncset.done @!p0 $0x0  }
0x162: {  	[sflag:s0] =	ssyncadd.s32 @!p0 s1  }
0x163: {  	[bflag:$0x3] =	sbarrier.arrive $0xFFFF  }
0x164: {  	_ =	shalt  }

</sc_bundles>
